<compile_context>
chip_gen: v7x
topology: tpu7x:2x2x1
jax: 0.10.2.dev20260603
libtpu: 0.0.44.dev20260713+nightly
codegen_flags: <defaults>
</compile_context>

<pallas_src>
import jax
import jax.numpy as jnp
from jax import lax
from jax.experimental import pallas as pl
from jax.experimental.pallas import tpu as pltpu
from jax.experimental.pallas import tpu_sc as plsc

N = 8
VOCAB = 100000
DIM = 32
B = 1024
T = 20

NUM_IDX = B * T
NW = 32
CHUNK = 128
NCHUNK = NUM_IDX // CHUNK
PER_W = NCHUNK // NW
ND = N * DIM
R = 3
TBLK = 10


def _gather_body(x_hbm, w_hbm, out_hbm, idx_v, rows_v, gsem, wsem):
    cid = lax.axis_index("c")
    sid = lax.axis_index("s")
    wid = sid * 2 + cid
    base = wid * PER_W

    start = jnp.minimum((base // 8) * 8, NCHUNK - 16)
    loc = base - start
    pltpu.sync_copy(x_hbm.at[pl.ds(start, 16)], idx_v)

    def fire_gather(j):
        pltpu.async_copy(w_hbm.at[idx_v.at[loc + j]], rows_v.at[j % R],
                         gsem.at[j % R])

    def wait_gather(j):
        pltpu.make_async_copy(w_hbm.at[idx_v.at[loc]], rows_v.at[j % R],
                              gsem.at[j % R]).wait()

    def fire_write(j):
        pltpu.async_copy(rows_v.at[j % R],
                         out_hbm.at[pl.ds((base + j) * CHUNK, CHUNK)],
                         wsem.at[j % R])

    def wait_write(j):
        pltpu.make_async_copy(w_hbm.at[idx_v.at[loc]], rows_v.at[j % R],
                              wsem.at[j % R]).wait()

    for j in range(R):
        fire_gather(j)
    for j in range(PER_W):
        wait_gather(j)
        fire_write(j)
        if j + R < PER_W:
            wait_write(j)
            fire_gather(j + R)
    for j in range(PER_W - R, PER_W):
        wait_write(j)


def _relayout_body(mid_ref, out_ref):
    for t in range(TBLK):
        tr = jnp.transpose(mid_ref[t], (1, 0))
        out_ref[:, t] = jnp.reshape(tr, (N, DIM, B))


@jax.jit
def kernel(x, weight):
    x_r = jnp.reshape(jnp.transpose(x.astype(jnp.int32), (1, 0)),
                      (NCHUNK, CHUNK))
    w2d = jnp.reshape(jnp.transpose(weight, (1, 0, 2)), (VOCAB, ND))
    gather_call = pl.kernel(
        _gather_body,
        mesh=plsc.VectorSubcoreMesh(core_axis_name="c", subcore_axis_name="s"),
        out_type=jax.ShapeDtypeStruct((NUM_IDX, ND), jnp.float32),
        scratch_types=[
            pltpu.VMEM((16, CHUNK), jnp.int32),
            pltpu.VMEM((R, CHUNK, ND), jnp.float32),
            pltpu.SemaphoreType.DMA((R,)),
            pltpu.SemaphoreType.DMA((R,)),
        ],
        compiler_params=pltpu.CompilerParams(use_tc_tiling_on_sc=True),
    )
    mid = gather_call(x_r, w2d)
    mid3 = jnp.reshape(mid, (T, B, ND))

    out4 = pl.pallas_call(
        _relayout_body,
        grid=(T // TBLK,),
        in_specs=[pl.BlockSpec((TBLK, B, ND), lambda t: (t, 0, 0))],
        out_specs=pl.BlockSpec((N, TBLK, DIM, B), lambda t: (0, t, 0, 0)),
        out_shape=jax.ShapeDtypeStruct((N, T, DIM, B), jnp.float32),
    )(mid3)
    return jnp.transpose(out4, (0, 3, 1, 2))

# --- scband reference (transcript-rebuilt; emitter-appended) ---
"""Pipeline reference for scband-wide-embedding-60928406061857 (READ-ONLY COPY).

The authoritative reference and input builder live on the scoring server;
editing this copy changes nothing except your own understanding.
"""

import jax, jax.numpy as jnp
import numpy as np

N = 8
VOCAB = 100000
DIM = 32
B = 1024
T = 20

def setup_inputs(seed: int = 0) -> dict:
    key = jax.random.key(seed)
    k_idx, k_w = jax.random.split(key)
    x = jax.random.randint(k_idx, (B, T), 0, VOCAB, dtype=jnp.int64) if jax.config.jax_enable_x64 else jax.random.randint(k_idx, (B, T), 0, VOCAB, dtype=jnp.int32)
    # weight initialized like nn.init.normal_ (standard normal)
    weight = jax.random.normal(k_w, (N, VOCAB, DIM), dtype=jnp.float32)
    return {"x": x, "weight": weight}

def reference(x, weight):
    # WideEmbedding with strategy='indexed': weight[:, x] -> [N, B, T, D]
    out = jnp.take(weight, x, axis=1)  # [N, B, T, D]
    return out

if __name__ == "__main__":
    import jax
    _d = setup_inputs()
    print(jax.jit(kernel)(*tuple(_d.values())))

</pallas_src>

<mosaic_0001>
#map = affine_map<(d0, d1) -> (0, 0)>
module attributes {stable_mosaic.version = 14 : i64} {
  func.func @_gather_body(%arg0: i32, %arg1: i32, %arg2: memref<160x128xi32, #tpu.memory_space<hbm>>, %arg3: memref<100000x256xf32, #tpu.memory_space<hbm>>, %arg4: memref<20480x256xf32, #tpu.memory_space<hbm>>, %arg5: memref<16x128xi32, #tpu.memory_space<vmem>>, %arg6: memref<3x128x256xf32, #tpu.memory_space<vmem>>, %arg7: memref<3x!tpu.dma_semaphore, #tpu.memory_space<semaphore_mem>>, %arg8: memref<3x!tpu.dma_semaphore, #tpu.memory_space<semaphore_mem>>) attributes {dimension_semantics = [#tpu.dimension_semantics<core_parallel>, #tpu.dimension_semantics<subcore_parallel>], iteration_bounds = array<i64: 2, 16>, scalar_prefetch = 0 : i64, scratch_operands = 4 : i64, tpu.core_type = #tpu.core_type<sc_vector_subcore>, window_params = [{transform_indices = #map}, {transform_indices = #map}, {transform_indices = #map}]} {
    %mul3A = arith.constant 2 : i32
    %mul3A_0 = arith.muli %arg1, %mul3A : i32
    %add3A = arith.addi %mul3A_0, %arg0 : i32
    %mul3A_1 = arith.constant 5 : i32
    %mul3A_2 = arith.muli %add3A, %mul3A_1 : i32
    %jit3A = arith.constant 8 : i32
    %div3A = arith.divsi %mul3A_2, %jit3A : i32
    %sign3A = arith.constant 0 : i32
    %sign3A_3 = arith.cmpi sgt, %mul3A_2, %sign3A : i32
    %sign3A_4 = arith.extui %sign3A_3 : i1 to i32
    %sign3A_5 = arith.constant 0 : i32
    %sign3A_6 = arith.cmpi slt, %mul3A_2, %sign3A_5 : i32
    %sign3A_7 = arith.extui %sign3A_6 : i1 to i32
    %sign3A_8 = arith.subi %sign3A_4, %sign3A_7 : i32
    %sign3A_9 = arith.constant 0 : i32
    %sign3A_10 = arith.cmpi sgt, %jit3A, %sign3A_9 : i32
    %sign3A_11 = arith.extui %sign3A_10 : i1 to i32
    %sign3A_12 = arith.constant 0 : i32
    %sign3A_13 = arith.cmpi slt, %jit3A, %sign3A_12 : i32
    %sign3A_14 = arith.extui %sign3A_13 : i1 to i32
    %sign3A_15 = arith.subi %sign3A_11, %sign3A_14 : i32
    %ne3A = arith.cmpi ne, %sign3A_8, %sign3A_15 : i32
    %rem3A = arith.remsi %mul3A_2, %jit3A : i32
    %ne3A_16 = arith.constant 0 : i32
    %ne3A_17 = arith.cmpi ne, %rem3A, %ne3A_16 : i32
    %and3A = arith.andi %ne3A, %ne3A_17 : i1
    %sub3A = arith.constant 1 : i32
    %sub3A_18 = arith.subi %div3A, %sub3A : i32
    %select_n3A = arith.select %and3A, %sub3A_18, %div3A : i32
    %mul3A_19 = arith.constant 8 : i32
    %mul3A_20 = arith.muli %select_n3A, %mul3A_19 : i32
    %min3A = arith.constant 144 : i32
    %min3A_21 = arith.minsi %mul3A_20, %min3A : i32
    %sub3A_22 = arith.subi %mul3A_2, %min3A_21 : i32
    "tpu.region"() ({
      %run_scoped3A = tpu.sem_alloc : memref<!tpu.dma_semaphore, #tpu.memory_space<semaphore_mem>>
      %dma_start3A_341 = arith.constant 0 : i32
      %dma_start3A_342 = tpu.memref_slice %arg2[%min3A_21, %dma_start3A_341] : memref<160x128xi32, #tpu.memory_space<hbm>> -> memref<16x128xi32, #tpu.memory_space<hbm>>
      %dma_start3A_343 = arith.constant 0 : i32
      %dma_start3A_344 = tpu.memref_slice %arg2[%min3A_21, %dma_start3A_343] : memref<160x128xi32, #tpu.memory_space<hbm>> -> memref<16x128xi32, #tpu.memory_space<hbm>>
      tpu.enqueue_dma source(%dma_start3A_344 : memref<16x128xi32, #tpu.memory_space<hbm>>) target(%arg5 : memref<16x128xi32, #tpu.memory_space<vmem>>) target_semaphore(%run_scoped3A : memref<!tpu.dma_semaphore, #tpu.memory_space<semaphore_mem>>)
      %dma_wait3A_345 = arith.constant 0 : i32
      %dma_wait3A_346 = tpu.memref_slice %arg2[%min3A_21, %dma_wait3A_345] : memref<160x128xi32, #tpu.memory_space<hbm>> -> memref<16x128xi32, #tpu.memory_space<hbm>>
      %dma_wait3A_347 = arith.constant 0 : i32
      %dma_wait3A_348 = tpu.memref_slice %arg2[%min3A_21, %dma_wait3A_347] : memref<160x128xi32, #tpu.memory_space<hbm>> -> memref<16x128xi32, #tpu.memory_space<hbm>>
      tpu.wait_dma2 semaphore(%run_scoped3A : memref<!tpu.dma_semaphore, #tpu.memory_space<semaphore_mem>>) src(%dma_wait3A_348 : memref<16x128xi32, #tpu.memory_space<hbm>>) dst(%arg5 : memref<16x128xi32, #tpu.memory_space<vmem>>)
      tpu.yield
    }) : () -> ()
    %add3A_23 = arith.constant 0 : i32
    %add3A_24 = arith.addi %sub3A_22, %add3A_23 : i32
    %dma_start3A = arith.constant 0 : i32
    %dma_start3A_25 = arith.constant 0 : i32
    %dma_start3A_26 = arith.constant 0 : i32
    %dma_start3A_27 = arith.constant 0 : i32
    %dma_start3A_28 = tpu.memref_slice %arg6[%dma_start3A, %dma_start3A_26, %dma_start3A_27] : memref<3x128x256xf32, #tpu.memory_space<vmem>> -> memref<1x128x256xf32, #tpu.memory_space<vmem>>
    %dma_start3A_29 = tpu.memref_squeeze %dma_start3A_28 : memref<1x128x256xf32, #tpu.memory_space<vmem>> -> memref<128x256xf32, #tpu.memory_space<vmem>>
    %dma_start3A_30 = arith.constant 0 : i32
    %dma_start3A_31 = tpu.memref_slice %arg5[%add3A_24, %dma_start3A_30] : memref<16x128xi32, #tpu.memory_space<vmem>> -> memref<1x128xi32, #tpu.memory_space<vmem>>
    %dma_start3A_32 = tpu.memref_squeeze %dma_start3A_31 : memref<1x128xi32, #tpu.memory_space<vmem>> -> memref<128xi32, #tpu.memory_space<vmem>>
    %dma_start3A_33 = arith.constant 0 : i32
    %dma_start3A_34 = arith.constant 0 : i32
    %dma_start3A_35 = tpu.memref_slice %arg3[%dma_start3A_33, %dma_start3A_34] : memref<100000x256xf32, #tpu.memory_space<hbm>> -> memref<100000x256xf32, #tpu.memory_space<hbm>>
    %dma_start3A_36 = tpu.memref_slice %arg7[%dma_start3A_25] : memref<3x!tpu.dma_semaphore, #tpu.memory_space<semaphore_mem>> -> memref<1x!tpu.dma_semaphore, #tpu.memory_space<semaphore_mem>>
    %dma_start3A_37 = tpu.memref_squeeze %dma_start3A_36 : memref<1x!tpu.dma_semaphore, #tpu.memory_space<semaphore_mem>> -> memref<!tpu.dma_semaphore, #tpu.memory_space<semaphore_mem>>
    tpu.enqueue_indirect_dma source(%dma_start3A_35 : memref<100000x256xf32, #tpu.memory_space<hbm>>) target(%dma_start3A_29 : memref<128x256xf32, #tpu.memory_space<vmem>>) offsets(%dma_start3A_32 : memref<128xi32, #tpu.memory_space<vmem>>) semaphore(%dma_start3A_37 : memref<!tpu.dma_semaphore, #tpu.memory_space<semaphore_mem>>)
    %add3A_38 = arith.constant 1 : i32
    %add3A_39 = arith.addi %sub3A_22, %add3A_38 : i32
    %dma_start3A_40 = arith.constant 1 : i32
    %dma_start3A_41 = arith.constant 1 : i32
    %dma_start3A_42 = arith.constant 0 : i32
    %dma_start3A_43 = arith.constant 0 : i32
    %dma_start3A_44 = tpu.memref_slice %arg6[%dma_start3A_40, %dma_start3A_42, %dma_start3A_43] : memref<3x128x256xf32, #tpu.memory_space<vmem>> -> memref<1x128x256xf32, #tpu.memory_space<vmem>>
    %dma_start3A_45 = tpu.memref_squeeze %dma_start3A_44 : memref<1x128x256xf32, #tpu.memory_space<vmem>> -> memref<128x256xf32, #tpu.memory_space<vmem>>
    %dma_start3A_46 = arith.constant 0 : i32
    %dma_start3A_47 = tpu.memref_slice %arg5[%add3A_39, %dma_start3A_46] : memref<16x128xi32, #tpu.memory_space<vmem>> -> memref<1x128xi32, #tpu.memory_space<vmem>>
    %dma_start3A_48 = tpu.memref_squeeze %dma_start3A_47 : memref<1x128xi32, #tpu.memory_space<vmem>> -> memref<128xi32, #tpu.memory_space<vmem>>
    %dma_start3A_49 = arith.constant 0 : i32
    %dma_start3A_50 = arith.constant 0 : i32
    %dma_start3A_51 = tpu.memref_slice %arg3[%dma_start3A_49, %dma_start3A_50] : memref<100000x256xf32, #tpu.memory_space<hbm>> -> memref<100000x256xf32, #tpu.memory_space<hbm>>
    %dma_start3A_52 = tpu.memref_slice %arg7[%dma_start3A_41] : memref<3x!tpu.dma_semaphore, #tpu.memory_space<semaphore_mem>> -> memref<1x!tpu.dma_semaphore, #tpu.memory_space<semaphore_mem>>
    %dma_start3A_53 = tpu.memref_squeeze %dma_start3A_52 : memref<1x!tpu.dma_semaphore, #tpu.memory_space<semaphore_mem>> -> memref<!tpu.dma_semaphore, #tpu.memory_space<semaphore_mem>>
    tpu.enqueue_indirect_dma source(%dma_start3A_51 : memref<100000x256xf32, #tpu.memory_space<hbm>>) target(%dma_start3A_45 : memref<128x256xf32, #tpu.memory_space<vmem>>) offsets(%dma_start3A_48 : memref<128xi32, #tpu.memory_space<vmem>>) semaphore(%dma_start3A_53 : memref<!tpu.dma_semaphore, #tpu.memory_space<semaphore_mem>>)
    %add3A_54 = arith.constant 2 : i32
    %add3A_55 = arith.addi %sub3A_22, %add3A_54 : i32
    %dma_start3A_56 = arith.constant 2 : i32
    %dma_start3A_57 = arith.constant 2 : i32
    %dma_start3A_58 = arith.constant 0 : i32
    %dma_start3A_59 = arith.constant 0 : i32
    %dma_start3A_60 = tpu.memref_slice %arg6[%dma_start3A_56, %dma_start3A_58, %dma_start3A_59] : memref<3x128x256xf32, #tpu.memory_space<vmem>> -> memref<1x128x256xf32, #tpu.memory_space<vmem>>
    %dma_start3A_61 = tpu.memref_squeeze %dma_start3A_60 : memref<1x128x256xf32, #tpu.memory_space<vmem>> -> memref<128x256xf32, #tpu.memory_space<vmem>>
    %dma_start3A_62 = arith.constant 0 : i32
    %dma_start3A_63 = tpu.memref_slice %arg5[%add3A_55, %dma_start3A_62] : memref<16x128xi32, #tpu.memory_space<vmem>> -> memref<1x128xi32, #tpu.memory_space<vmem>>
    %dma_start3A_64 = tpu.memref_squeeze %dma_start3A_63 : memref<1x128xi32, #tpu.memory_space<vmem>> -> memref<128xi32, #tpu.memory_space<vmem>>
    %dma_start3A_65 = arith.constant 0 : i32
    %dma_start3A_66 = arith.constant 0 : i32
    %dma_start3A_67 = tpu.memref_slice %arg3[%dma_start3A_65, %dma_start3A_66] : memref<100000x256xf32, #tpu.memory_space<hbm>> -> memref<100000x256xf32, #tpu.memory_space<hbm>>
    %dma_start3A_68 = tpu.memref_slice %arg7[%dma_start3A_57] : memref<3x!tpu.dma_semaphore, #tpu.memory_space<semaphore_mem>> -> memref<1x!tpu.dma_semaphore, #tpu.memory_space<semaphore_mem>>
    %dma_start3A_69 = tpu.memref_squeeze %dma_start3A_68 : memref<1x!tpu.dma_semaphore, #tpu.memory_space<semaphore_mem>> -> memref<!tpu.dma_semaphore, #tpu.memory_space<semaphore_mem>>
    tpu.enqueue_indirect_dma source(%dma_start3A_67 : memref<100000x256xf32, #tpu.memory_space<hbm>>) target(%dma_start3A_61 : memref<128x256xf32, #tpu.memory_space<vmem>>) offsets(%dma_start3A_64 : memref<128xi32, #tpu.memory_space<vmem>>) semaphore(%dma_start3A_69 : memref<!tpu.dma_semaphore, #tpu.memory_space<semaphore_mem>>)
    %dma_wait3A = arith.constant 0 : i32
    %dma_wait3A_70 = arith.constant 0 : i32
    %dma_wait3A_71 = arith.constant 0 : i32
    %dma_wait3A_72 = arith.constant 0 : i32
    %dma_wait3A_73 = tpu.memref_slice %arg6[%dma_wait3A, %dma_wait3A_71, %dma_wait3A_72] : memref<3x128x256xf32, #tpu.memory_space<vmem>> -> memref<1x128x256xf32, #tpu.memory_space<vmem>>
    %dma_wait3A_74 = tpu.memref_squeeze %dma_wait3A_73 : memref<1x128x256xf32, #tpu.memory_space<vmem>> -> memref<128x256xf32, #tpu.memory_space<vmem>>
    %dma_wait3A_75 = arith.constant 0 : i32
    %dma_wait3A_76 = tpu.memref_slice %arg5[%sub3A_22, %dma_wait3A_75] : memref<16x128xi32, #tpu.memory_space<vmem>> -> memref<1x128xi32, #tpu.memory_space<vmem>>
    %dma_wait3A_77 = tpu.memref_squeeze %dma_wait3A_76 : memref<1x128xi32, #tpu.memory_space<vmem>> -> memref<128xi32, #tpu.memory_space<vmem>>
    %dma_wait3A_78 = arith.constant 0 : i32
    %dma_wait3A_79 = arith.constant 0 : i32
    %dma_wait3A_80 = tpu.memref_slice %arg3[%dma_wait3A_78, %dma_wait3A_79] : memref<100000x256xf32, #tpu.memory_space<hbm>> -> memref<100000x256xf32, #tpu.memory_space<hbm>>
    %dma_wait3A_81 = tpu.memref_slice %arg7[%dma_wait3A_70] : memref<3x!tpu.dma_semaphore, #tpu.memory_space<semaphore_mem>> -> memref<1x!tpu.dma_semaphore, #tpu.memory_space<semaphore_mem>>
    %dma_wait3A_82 = tpu.memref_squeeze %dma_wait3A_81 : memref<1x!tpu.dma_semaphore, #tpu.memory_space<semaphore_mem>> -> memref<!tpu.dma_semaphore, #tpu.memory_space<semaphore_mem>>
    tpu.wait_indirect_dma semaphore(%dma_wait3A_82 : memref<!tpu.dma_semaphore, #tpu.memory_space<semaphore_mem>>) src(%dma_wait3A_80 : memref<100000x256xf32, #tpu.memory_space<hbm>>) dst(%dma_wait3A_74 : memref<128x256xf32, #tpu.memory_space<vmem>>)
    %add3A_83 = arith.constant 0 : i32
    %add3A_84 = arith.addi %mul3A_2, %add3A_83 : i32
    %mul3A_85 = arith.constant 128 : i32
    %mul3A_86 = arith.muli %add3A_84, %mul3A_85 : i32
    %dma_start3A_87 = arith.constant 0 : i32
    %dma_start3A_88 = arith.constant 0 : i32
    %dma_start3A_89 = arith.constant 0 : i32
    %dma_start3A_90 = arith.constant 0 : i32
    %dma_start3A_91 = tpu.memref_slice %arg6[%dma_start3A_87, %dma_start3A_89, %dma_start3A_90] : memref<3x128x256xf32, #tpu.memory_space<vmem>> -> memref<1x128x256xf32, #tpu.memory_space<vmem>>
    %dma_start3A_92 = tpu.memref_squeeze %dma_start3A_91 : memref<1x128x256xf32, #tpu.memory_space<vmem>> -> memref<128x256xf32, #tpu.memory_space<vmem>>
    %dma_start3A_93 = arith.constant 0 : i32
    %dma_start3A_94 = tpu.memref_slice %arg4[%mul3A_86, %dma_start3A_93] : memref<20480x256xf32, #tpu.memory_space<hbm>> -> memref<128x256xf32, #tpu.memory_space<hbm>>
    %dma_start3A_95 = tpu.memref_slice %arg8[%dma_start3A_88] : memref<3x!tpu.dma_semaphore, #tpu.memory_space<semaphore_mem>> -> memref<1x!tpu.dma_semaphore, #tpu.memory_space<semaphore_mem>>
    %dma_start3A_96 = tpu.memref_squeeze %dma_start3A_95 : memref<1x!tpu.dma_semaphore, #tpu.memory_space<semaphore_mem>> -> memref<!tpu.dma_semaphore, #tpu.memory_space<semaphore_mem>>
    %dma_start3A_97 = arith.constant 0 : i32
    %dma_start3A_98 = tpu.memref_slice %arg4[%mul3A_86, %dma_start3A_97] : memref<20480x256xf32, #tpu.memory_space<hbm>> -> memref<128x256xf32, #tpu.memory_space<hbm>>
    %dma_start3A_99 = arith.constant 0 : i32
    %dma_start3A_100 = arith.constant 0 : i32
    %dma_start3A_101 = tpu.memref_slice %arg6[%dma_start3A_87, %dma_start3A_99, %dma_start3A_100] : memref<3x128x256xf32, #tpu.memory_space<vmem>> -> memref<1x128x256xf32, #tpu.memory_space<vmem>>
    %dma_start3A_102 = tpu.memref_squeeze %dma_start3A_101 : memref<1x128x256xf32, #tpu.memory_space<vmem>> -> memref<128x256xf32, #tpu.memory_space<vmem>>
    tpu.enqueue_dma source(%dma_start3A_102 : memref<128x256xf32, #tpu.memory_space<vmem>>) target(%dma_start3A_98 : memref<128x256xf32, #tpu.memory_space<hbm>>) target_semaphore(%dma_start3A_96 : memref<!tpu.dma_semaphore, #tpu.memory_space<semaphore_mem>>)
    %dma_wait3A_103 = arith.constant 0 : i32
    %dma_wait3A_104 = arith.constant 0 : i32
    %dma_wait3A_105 = arith.constant 0 : i32
    %dma_wait3A_106 = arith.constant 0 : i32
    %dma_wait3A_107 = tpu.memref_slice %arg6[%dma_wait3A_103, %dma_wait3A_105, %dma_wait3A_106] : memref<3x128x256xf32, #tpu.memory_space<vmem>> -> memref<1x128x256xf32, #tpu.memory_space<vmem>>
    %dma_wait3A_108 = tpu.memref_squeeze %dma_wait3A_107 : memref<1x128x256xf32, #tpu.memory_space<vmem>> -> memref<128x256xf32, #tpu.memory_space<vmem>>
    %dma_wait3A_109 = arith.constant 0 : i32
    %dma_wait3A_110 = tpu.memref_slice %arg5[%sub3A_22, %dma_wait3A_109] : memref<16x128xi32, #tpu.memory_space<vmem>> -> memref<1x128xi32, #tpu.memory_space<vmem>>
    %dma_wait3A_111 = tpu.memref_squeeze %dma_wait3A_110 : memref<1x128xi32, #tpu.memory_space<vmem>> -> memref<128xi32, #tpu.memory_space<vmem>>
    %dma_wait3A_112 = arith.constant 0 : i32
    %dma_wait3A_113 = arith.constant 0 : i32
    %dma_wait3A_114 = tpu.memref_slice %arg3[%dma_wait3A_112, %dma_wait3A_113] : memref<100000x256xf32, #tpu.memory_space<hbm>> -> memref<100000x256xf32, #tpu.memory_space<hbm>>
    %dma_wait3A_115 = tpu.memref_slice %arg8[%dma_wait3A_104] : memref<3x!tpu.dma_semaphore, #tpu.memory_space<semaphore_mem>> -> memref<1x!tpu.dma_semaphore, #tpu.memory_space<semaphore_mem>>
    %dma_wait3A_116 = tpu.memref_squeeze %dma_wait3A_115 : memref<1x!tpu.dma_semaphore, #tpu.memory_space<semaphore_mem>> -> memref<!tpu.dma_semaphore, #tpu.memory_space<semaphore_mem>>
    tpu.wait_indirect_dma semaphore(%dma_wait3A_116 : memref<!tpu.dma_semaphore, #tpu.memory_space<semaphore_mem>>) src(%dma_wait3A_114 : memref<100000x256xf32, #tpu.memory_space<hbm>>) dst(%dma_wait3A_108 : memref<128x256xf32, #tpu.memory_space<vmem>>)
    %add3A_117 = arith.constant 3 : i32
    %add3A_118 = arith.addi %sub3A_22, %add3A_117 : i32
    %dma_start3A_119 = arith.constant 0 : i32
    %dma_start3A_120 = arith.constant 0 : i32
    %dma_start3A_121 = arith.constant 0 : i32
    %dma_start3A_122 = arith.constant 0 : i32
    %dma_start3A_123 = tpu.memref_slice %arg6[%dma_start3A_119, %dma_start3A_121, %dma_start3A_122] : memref<3x128x256xf32, #tpu.memory_space<vmem>> -> memref<1x128x256xf32, #tpu.memory_space<vmem>>
    %dma_start3A_124 = tpu.memref_squeeze %dma_start3A_123 : memref<1x128x256xf32, #tpu.memory_space<vmem>> -> memref<128x256xf32, #tpu.memory_space<vmem>>
    %dma_start3A_125 = arith.constant 0 : i32
    %dma_start3A_126 = tpu.memref_slice %arg5[%add3A_118, %dma_start3A_125] : memref<16x128xi32, #tpu.memory_space<vmem>> -> memref<1x128xi32, #tpu.memory_space<vmem>>
    %dma_start3A_127 = tpu.memref_squeeze %dma_start3A_126 : memref<1x128xi32, #tpu.memory_space<vmem>> -> memref<128xi32, #tpu.memory_space<vmem>>
    %dma_start3A_128 = arith.constant 0 : i32
    %dma_start3A_129 = arith.constant 0 : i32
    %dma_start3A_130 = tpu.memref_slice %arg3[%dma_start3A_128, %dma_start3A_129] : memref<100000x256xf32, #tpu.memory_space<hbm>> -> memref<100000x256xf32, #tpu.memory_space<hbm>>
    %dma_start3A_131 = tpu.memref_slice %arg7[%dma_start3A_120] : memref<3x!tpu.dma_semaphore, #tpu.memory_space<semaphore_mem>> -> memref<1x!tpu.dma_semaphore, #tpu.memory_space<semaphore_mem>>
    %dma_start3A_132 = tpu.memref_squeeze %dma_start3A_131 : memref<1x!tpu.dma_semaphore, #tpu.memory_space<semaphore_mem>> -> memref<!tpu.dma_semaphore, #tpu.memory_space<semaphore_mem>>
    tpu.enqueue_indirect_dma source(%dma_start3A_130 : memref<100000x256xf32, #tpu.memory_space<hbm>>) target(%dma_start3A_124 : memref<128x256xf32, #tpu.memory_space<vmem>>) offsets(%dma_start3A_127 : memref<128xi32, #tpu.memory_space<vmem>>) semaphore(%dma_start3A_132 : memref<!tpu.dma_semaphore, #tpu.memory_space<semaphore_mem>>)
    %dma_wait3A_133 = arith.constant 1 : i32
    %dma_wait3A_134 = arith.constant 1 : i32
    %dma_wait3A_135 = arith.constant 0 : i32
    %dma_wait3A_136 = arith.constant 0 : i32
    %dma_wait3A_137 = tpu.memref_slice %arg6[%dma_wait3A_133, %dma_wait3A_135, %dma_wait3A_136] : memref<3x128x256xf32, #tpu.memory_space<vmem>> -> memref<1x128x256xf32, #tpu.memory_space<vmem>>
    %dma_wait3A_138 = tpu.memref_squeeze %dma_wait3A_137 : memref<1x128x256xf32, #tpu.memory_space<vmem>> -> memref<128x256xf32, #tpu.memory_space<vmem>>
    %dma_wait3A_139 = arith.constant 0 : i32
    %dma_wait3A_140 = tpu.memref_slice %arg5[%sub3A_22, %dma_wait3A_139] : memref<16x128xi32, #tpu.memory_space<vmem>> -> memref<1x128xi32, #tpu.memory_space<vmem>>
    %dma_wait3A_141 = tpu.memref_squeeze %dma_wait3A_140 : memref<1x128xi32, #tpu.memory_space<vmem>> -> memref<128xi32, #tpu.memory_space<vmem>>
    %dma_wait3A_142 = arith.constant 0 : i32
    %dma_wait3A_143 = arith.constant 0 : i32
    %dma_wait3A_144 = tpu.memref_slice %arg3[%dma_wait3A_142, %dma_wait3A_143] : memref<100000x256xf32, #tpu.memory_space<hbm>> -> memref<100000x256xf32, #tpu.memory_space<hbm>>
    %dma_wait3A_145 = tpu.memref_slice %arg7[%dma_wait3A_134] : memref<3x!tpu.dma_semaphore, #tpu.memory_space<semaphore_mem>> -> memref<1x!tpu.dma_semaphore, #tpu.memory_space<semaphore_mem>>
    %dma_wait3A_146 = tpu.memref_squeeze %dma_wait3A_145 : memref<1x!tpu.dma_semaphore, #tpu.memory_space<semaphore_mem>> -> memref<!tpu.dma_semaphore, #tpu.memory_space<semaphore_mem>>
    tpu.wait_indirect_dma semaphore(%dma_wait3A_146 : memref<!tpu.dma_semaphore, #tpu.memory_space<semaphore_mem>>) src(%dma_wait3A_144 : memref<100000x256xf32, #tpu.memory_space<hbm>>) dst(%dma_wait3A_138 : memref<128x256xf32, #tpu.memory_space<vmem>>)
    %add3A_147 = arith.constant 1 : i32
    %add3A_148 = arith.addi %mul3A_2, %add3A_147 : i32
    %mul3A_149 = arith.constant 128 : i32
    %mul3A_150 = arith.muli %add3A_148, %mul3A_149 : i32
    %dma_start3A_151 = arith.constant 1 : i32
    %dma_start3A_152 = arith.constant 1 : i32
    %dma_start3A_153 = arith.constant 0 : i32
    %dma_start3A_154 = arith.constant 0 : i32
    %dma_start3A_155 = tpu.memref_slice %arg6[%dma_start3A_151, %dma_start3A_153, %dma_start3A_154] : memref<3x128x256xf32, #tpu.memory_space<vmem>> -> memref<1x128x256xf32, #tpu.memory_space<vmem>>
    %dma_start3A_156 = tpu.memref_squeeze %dma_start3A_155 : memref<1x128x256xf32, #tpu.memory_space<vmem>> -> memref<128x256xf32, #tpu.memory_space<vmem>>
    %dma_start3A_157 = arith.constant 0 : i32
    %dma_start3A_158 = tpu.memref_slice %arg4[%mul3A_150, %dma_start3A_157] : memref<20480x256xf32, #tpu.memory_space<hbm>> -> memref<128x256xf32, #tpu.memory_space<hbm>>
    %dma_start3A_159 = tpu.memref_slice %arg8[%dma_start3A_152] : memref<3x!tpu.dma_semaphore, #tpu.memory_space<semaphore_mem>> -> memref<1x!tpu.dma_semaphore, #tpu.memory_space<semaphore_mem>>
    %dma_start3A_160 = tpu.memref_squeeze %dma_start3A_159 : memref<1x!tpu.dma_semaphore, #tpu.memory_space<semaphore_mem>> -> memref<!tpu.dma_semaphore, #tpu.memory_space<semaphore_mem>>
    %dma_start3A_161 = arith.constant 0 : i32
    %dma_start3A_162 = tpu.memref_slice %arg4[%mul3A_150, %dma_start3A_161] : memref<20480x256xf32, #tpu.memory_space<hbm>> -> memref<128x256xf32, #tpu.memory_space<hbm>>
    %dma_start3A_163 = arith.constant 0 : i32
    %dma_start3A_164 = arith.constant 0 : i32
    %dma_start3A_165 = tpu.memref_slice %arg6[%dma_start3A_151, %dma_start3A_163, %dma_start3A_164] : memref<3x128x256xf32, #tpu.memory_space<vmem>> -> memref<1x128x256xf32, #tpu.memory_space<vmem>>
    %dma_start3A_166 = tpu.memref_squeeze %dma_start3A_165 : memref<1x128x256xf32, #tpu.memory_space<vmem>> -> memref<128x256xf32, #tpu.memory_space<vmem>>
    tpu.enqueue_dma source(%dma_start3A_166 : memref<128x256xf32, #tpu.memory_space<vmem>>) target(%dma_start3A_162 : memref<128x256xf32, #tpu.memory_space<hbm>>) target_semaphore(%dma_start3A_160 : memref<!tpu.dma_semaphore, #tpu.memory_space<semaphore_mem>>)
    %dma_wait3A_167 = arith.constant 1 : i32
    %dma_wait3A_168 = arith.constant 1 : i32
    %dma_wait3A_169 = arith.constant 0 : i32
    %dma_wait3A_170 = arith.constant 0 : i32
    %dma_wait3A_171 = tpu.memref_slice %arg6[%dma_wait3A_167, %dma_wait3A_169, %dma_wait3A_170] : memref<3x128x256xf32, #tpu.memory_space<vmem>> -> memref<1x128x256xf32, #tpu.memory_space<vmem>>
    %dma_wait3A_172 = tpu.memref_squeeze %dma_wait3A_171 : memref<1x128x256xf32, #tpu.memory_space<vmem>> -> memref<128x256xf32, #tpu.memory_space<vmem>>
    %dma_wait3A_173 = arith.constant 0 : i32
    %dma_wait3A_174 = tpu.memref_slice %arg5[%sub3A_22, %dma_wait3A_173] : memref<16x128xi32, #tpu.memory_space<vmem>> -> memref<1x128xi32, #tpu.memory_space<vmem>>
    %dma_wait3A_175 = tpu.memref_squeeze %dma_wait3A_174 : memref<1x128xi32, #tpu.memory_space<vmem>> -> memref<128xi32, #tpu.memory_space<vmem>>
    %dma_wait3A_176 = arith.constant 0 : i32
    %dma_wait3A_177 = arith.constant 0 : i32
    %dma_wait3A_178 = tpu.memref_slice %arg3[%dma_wait3A_176, %dma_wait3A_177] : memref<100000x256xf32, #tpu.memory_space<hbm>> -> memref<100000x256xf32, #tpu.memory_space<hbm>>
    %dma_wait3A_179 = tpu.memref_slice %arg8[%dma_wait3A_168] : memref<3x!tpu.dma_semaphore, #tpu.memory_space<semaphore_mem>> -> memref<1x!tpu.dma_semaphore, #tpu.memory_space<semaphore_mem>>
    %dma_wait3A_180 = tpu.memref_squeeze %dma_wait3A_179 : memref<1x!tpu.dma_semaphore, #tpu.memory_space<semaphore_mem>> -> memref<!tpu.dma_semaphore, #tpu.memory_space<semaphore_mem>>
    tpu.wait_indirect_dma semaphore(%dma_wait3A_180 : memref<!tpu.dma_semaphore, #tpu.memory_space<semaphore_mem>>) src(%dma_wait3A_178 : memref<100000x256xf32, #tpu.memory_space<hbm>>) dst(%dma_wait3A_172 : memref<128x256xf32, #tpu.memory_space<vmem>>)
    %add3A_181 = arith.constant 4 : i32
    %add3A_182 = arith.addi %sub3A_22, %add3A_181 : i32
    %dma_start3A_183 = arith.constant 1 : i32
    %dma_start3A_184 = arith.constant 1 : i32
    %dma_start3A_185 = arith.constant 0 : i32
    %dma_start3A_186 = arith.constant 0 : i32
    %dma_start3A_187 = tpu.memref_slice %arg6[%dma_start3A_183, %dma_start3A_185, %dma_start3A_186] : memref<3x128x256xf32, #tpu.memory_space<vmem>> -> memref<1x128x256xf32, #tpu.memory_space<vmem>>
    %dma_start3A_188 = tpu.memref_squeeze %dma_start3A_187 : memref<1x128x256xf32, #tpu.memory_space<vmem>> -> memref<128x256xf32, #tpu.memory_space<vmem>>
    %dma_start3A_189 = arith.constant 0 : i32
    %dma_start3A_190 = tpu.memref_slice %arg5[%add3A_182, %dma_start3A_189] : memref<16x128xi32, #tpu.memory_space<vmem>> -> memref<1x128xi32, #tpu.memory_space<vmem>>
    %dma_start3A_191 = tpu.memref_squeeze %dma_start3A_190 : memref<1x128xi32, #tpu.memory_space<vmem>> -> memref<128xi32, #tpu.memory_space<vmem>>
    %dma_start3A_192 = arith.constant 0 : i32
    %dma_start3A_193 = arith.constant 0 : i32
    %dma_start3A_194 = tpu.memref_slice %arg3[%dma_start3A_192, %dma_start3A_193] : memref<100000x256xf32, #tpu.memory_space<hbm>> -> memref<100000x256xf32, #tpu.memory_space<hbm>>
    %dma_start3A_195 = tpu.memref_slice %arg7[%dma_start3A_184] : memref<3x!tpu.dma_semaphore, #tpu.memory_space<semaphore_mem>> -> memref<1x!tpu.dma_semaphore, #tpu.memory_space<semaphore_mem>>
    %dma_start3A_196 = tpu.memref_squeeze %dma_start3A_195 : memref<1x!tpu.dma_semaphore, #tpu.memory_space<semaphore_mem>> -> memref<!tpu.dma_semaphore, #tpu.memory_space<semaphore_mem>>
    tpu.enqueue_indirect_dma source(%dma_start3A_194 : memref<100000x256xf32, #tpu.memory_space<hbm>>) target(%dma_start3A_188 : memref<128x256xf32, #tpu.memory_space<vmem>>) offsets(%dma_start3A_191 : memref<128xi32, #tpu.memory_space<vmem>>) semaphore(%dma_start3A_196 : memref<!tpu.dma_semaphore, #tpu.memory_space<semaphore_mem>>)
    %dma_wait3A_197 = arith.constant 2 : i32
    %dma_wait3A_198 = arith.constant 2 : i32
    %dma_wait3A_199 = arith.constant 0 : i32
    %dma_wait3A_200 = arith.constant 0 : i32
    %dma_wait3A_201 = tpu.memref_slice %arg6[%dma_wait3A_197, %dma_wait3A_199, %dma_wait3A_200] : memref<3x128x256xf32, #tpu.memory_space<vmem>> -> memref<1x128x256xf32, #tpu.memory_space<vmem>>
    %dma_wait3A_202 = tpu.memref_squeeze %dma_wait3A_201 : memref<1x128x256xf32, #tpu.memory_space<vmem>> -> memref<128x256xf32, #tpu.memory_space<vmem>>
    %dma_wait3A_203 = arith.constant 0 : i32
    %dma_wait3A_204 = tpu.memref_slice %arg5[%sub3A_22, %dma_wait3A_203] : memref<16x128xi32, #tpu.memory_space<vmem>> -> memref<1x128xi32, #tpu.memory_space<vmem>>
    %dma_wait3A_205 = tpu.memref_squeeze %dma_wait3A_204 : memref<1x128xi32, #tpu.memory_space<vmem>> -> memref<128xi32, #tpu.memory_space<vmem>>
    %dma_wait3A_206 = arith.constant 0 : i32
    %dma_wait3A_207 = arith.constant 0 : i32
    %dma_wait3A_208 = tpu.memref_slice %arg3[%dma_wait3A_206, %dma_wait3A_207] : memref<100000x256xf32, #tpu.memory_space<hbm>> -> memref<100000x256xf32, #tpu.memory_space<hbm>>
    %dma_wait3A_209 = tpu.memref_slice %arg7[%dma_wait3A_198] : memref<3x!tpu.dma_semaphore, #tpu.memory_space<semaphore_mem>> -> memref<1x!tpu.dma_semaphore, #tpu.memory_space<semaphore_mem>>
    %dma_wait3A_210 = tpu.memref_squeeze %dma_wait3A_209 : memref<1x!tpu.dma_semaphore, #tpu.memory_space<semaphore_mem>> -> memref<!tpu.dma_semaphore, #tpu.memory_space<semaphore_mem>>
    tpu.wait_indirect_dma semaphore(%dma_wait3A_210 : memref<!tpu.dma_semaphore, #tpu.memory_space<semaphore_mem>>) src(%dma_wait3A_208 : memref<100000x256xf32, #tpu.memory_space<hbm>>) dst(%dma_wait3A_202 : memref<128x256xf32, #tpu.memory_space<vmem>>)
    %add3A_211 = arith.constant 2 : i32
    %add3A_212 = arith.addi %mul3A_2, %add3A_211 : i32
    %mul3A_213 = arith.constant 128 : i32
    %mul3A_214 = arith.muli %add3A_212, %mul3A_213 : i32
    %dma_start3A_215 = arith.constant 2 : i32
    %dma_start3A_216 = arith.constant 2 : i32
    %dma_start3A_217 = arith.constant 0 : i32
    %dma_start3A_218 = arith.constant 0 : i32
    %dma_start3A_219 = tpu.memref_slice %arg6[%dma_start3A_215, %dma_start3A_217, %dma_start3A_218] : memref<3x128x256xf32, #tpu.memory_space<vmem>> -> memref<1x128x256xf32, #tpu.memory_space<vmem>>
    %dma_start3A_220 = tpu.memref_squeeze %dma_start3A_219 : memref<1x128x256xf32, #tpu.memory_space<vmem>> -> memref<128x256xf32, #tpu.memory_space<vmem>>
    %dma_start3A_221 = arith.constant 0 : i32
    %dma_start3A_222 = tpu.memref_slice %arg4[%mul3A_214, %dma_start3A_221] : memref<20480x256xf32, #tpu.memory_space<hbm>> -> memref<128x256xf32, #tpu.memory_space<hbm>>
    %dma_start3A_223 = tpu.memref_slice %arg8[%dma_start3A_216] : memref<3x!tpu.dma_semaphore, #tpu.memory_space<semaphore_mem>> -> memref<1x!tpu.dma_semaphore, #tpu.memory_space<semaphore_mem>>
    %dma_start3A_224 = tpu.memref_squeeze %dma_start3A_223 : memref<1x!tpu.dma_semaphore, #tpu.memory_space<semaphore_mem>> -> memref<!tpu.dma_semaphore, #tpu.memory_space<semaphore_mem>>
    %dma_start3A_225 = arith.constant 0 : i32
    %dma_start3A_226 = tpu.memref_slice %arg4[%mul3A_214, %dma_start3A_225] : memref<20480x256xf32, #tpu.memory_space<hbm>> -> memref<128x256xf32, #tpu.memory_space<hbm>>
    %dma_start3A_227 = arith.constant 0 : i32
    %dma_start3A_228 = arith.constant 0 : i32
    %dma_start3A_229 = tpu.memref_slice %arg6[%dma_start3A_215, %dma_start3A_227, %dma_start3A_228] : memref<3x128x256xf32, #tpu.memory_space<vmem>> -> memref<1x128x256xf32, #tpu.memory_space<vmem>>
    %dma_start3A_230 = tpu.memref_squeeze %dma_start3A_229 : memref<1x128x256xf32, #tpu.memory_space<vmem>> -> memref<128x256xf32, #tpu.memory_space<vmem>>
    tpu.enqueue_dma source(%dma_start3A_230 : memref<128x256xf32, #tpu.memory_space<vmem>>) target(%dma_start3A_226 : memref<128x256xf32, #tpu.memory_space<hbm>>) target_semaphore(%dma_start3A_224 : memref<!tpu.dma_semaphore, #tpu.memory_space<semaphore_mem>>)
    %dma_wait3A_231 = arith.constant 0 : i32
    %dma_wait3A_232 = arith.constant 0 : i32
    %dma_wait3A_233 = arith.constant 0 : i32
    %dma_wait3A_234 = arith.constant 0 : i32
    %dma_wait3A_235 = tpu.memref_slice %arg6[%dma_wait3A_231, %dma_wait3A_233, %dma_wait3A_234] : memref<3x128x256xf32, #tpu.memory_space<vmem>> -> memref<1x128x256xf32, #tpu.memory_space<vmem>>
    %dma_wait3A_236 = tpu.memref_squeeze %dma_wait3A_235 : memref<1x128x256xf32, #tpu.memory_space<vmem>> -> memref<128x256xf32, #tpu.memory_space<vmem>>
    %dma_wait3A_237 = arith.constant 0 : i32
    %dma_wait3A_238 = tpu.memref_slice %arg5[%sub3A_22, %dma_wait3A_237] : memref<16x128xi32, #tpu.memory_space<vmem>> -> memref<1x128xi32, #tpu.memory_space<vmem>>
    %dma_wait3A_239 = tpu.memref_squeeze %dma_wait3A_238 : memref<1x128xi32, #tpu.memory_space<vmem>> -> memref<128xi32, #tpu.memory_space<vmem>>
    %dma_wait3A_240 = arith.constant 0 : i32
    %dma_wait3A_241 = arith.constant 0 : i32
    %dma_wait3A_242 = tpu.memref_slice %arg3[%dma_wait3A_240, %dma_wait3A_241] : memref<100000x256xf32, #tpu.memory_space<hbm>> -> memref<100000x256xf32, #tpu.memory_space<hbm>>
    %dma_wait3A_243 = tpu.memref_slice %arg7[%dma_wait3A_232] : memref<3x!tpu.dma_semaphore, #tpu.memory_space<semaphore_mem>> -> memref<1x!tpu.dma_semaphore, #tpu.memory_space<semaphore_mem>>
    %dma_wait3A_244 = tpu.memref_squeeze %dma_wait3A_243 : memref<1x!tpu.dma_semaphore, #tpu.memory_space<semaphore_mem>> -> memref<!tpu.dma_semaphore, #tpu.memory_space<semaphore_mem>>
    tpu.wait_indirect_dma semaphore(%dma_wait3A_244 : memref<!tpu.dma_semaphore, #tpu.memory_space<semaphore_mem>>) src(%dma_wait3A_242 : memref<100000x256xf32, #tpu.memory_space<hbm>>) dst(%dma_wait3A_236 : memref<128x256xf32, #tpu.memory_space<vmem>>)
    %add3A_245 = arith.constant 3 : i32
    %add3A_246 = arith.addi %mul3A_2, %add3A_245 : i32
    %mul3A_247 = arith.constant 128 : i32
    %mul3A_248 = arith.muli %add3A_246, %mul3A_247 : i32
    %dma_start3A_249 = arith.constant 0 : i32
    %dma_start3A_250 = arith.constant 0 : i32
    %dma_start3A_251 = arith.constant 0 : i32
    %dma_start3A_252 = arith.constant 0 : i32
    %dma_start3A_253 = tpu.memref_slice %arg6[%dma_start3A_249, %dma_start3A_251, %dma_start3A_252] : memref<3x128x256xf32, #tpu.memory_space<vmem>> -> memref<1x128x256xf32, #tpu.memory_space<vmem>>
    %dma_start3A_254 = tpu.memref_squeeze %dma_start3A_253 : memref<1x128x256xf32, #tpu.memory_space<vmem>> -> memref<128x256xf32, #tpu.memory_space<vmem>>
    %dma_start3A_255 = arith.constant 0 : i32
    %dma_start3A_256 = tpu.memref_slice %arg4[%mul3A_248, %dma_start3A_255] : memref<20480x256xf32, #tpu.memory_space<hbm>> -> memref<128x256xf32, #tpu.memory_space<hbm>>
    %dma_start3A_257 = tpu.memref_slice %arg8[%dma_start3A_250] : memref<3x!tpu.dma_semaphore, #tpu.memory_space<semaphore_mem>> -> memref<1x!tpu.dma_semaphore, #tpu.memory_space<semaphore_mem>>
    %dma_start3A_258 = tpu.memref_squeeze %dma_start3A_257 : memref<1x!tpu.dma_semaphore, #tpu.memory_space<semaphore_mem>> -> memref<!tpu.dma_semaphore, #tpu.memory_space<semaphore_mem>>
    %dma_start3A_259 = arith.constant 0 : i32
    %dma_start3A_260 = tpu.memref_slice %arg4[%mul3A_248, %dma_start3A_259] : memref<20480x256xf32, #tpu.memory_space<hbm>> -> memref<128x256xf32, #tpu.memory_space<hbm>>
    %dma_start3A_261 = arith.constant 0 : i32
    %dma_start3A_262 = arith.constant 0 : i32
    %dma_start3A_263 = tpu.memref_slice %arg6[%dma_start3A_249, %dma_start3A_261, %dma_start3A_262] : memref<3x128x256xf32, #tpu.memory_space<vmem>> -> memref<1x128x256xf32, #tpu.memory_space<vmem>>
    %dma_start3A_264 = tpu.memref_squeeze %dma_start3A_263 : memref<1x128x256xf32, #tpu.memory_space<vmem>> -> memref<128x256xf32, #tpu.memory_space<vmem>>
    tpu.enqueue_dma source(%dma_start3A_264 : memref<128x256xf32, #tpu.memory_space<vmem>>) target(%dma_start3A_260 : memref<128x256xf32, #tpu.memory_space<hbm>>) target_semaphore(%dma_start3A_258 : memref<!tpu.dma_semaphore, #tpu.memory_space<semaphore_mem>>)
    %dma_wait3A_265 = arith.constant 1 : i32
    %dma_wait3A_266 = arith.constant 1 : i32
    %dma_wait3A_267 = arith.constant 0 : i32
    %dma_wait3A_268 = arith.constant 0 : i32
    %dma_wait3A_269 = tpu.memref_slice %arg6[%dma_wait3A_265, %dma_wait3A_267, %dma_wait3A_268] : memref<3x128x256xf32, #tpu.memory_space<vmem>> -> memref<1x128x256xf32, #tpu.memory_space<vmem>>
    %dma_wait3A_270 = tpu.memref_squeeze %dma_wait3A_269 : memref<1x128x256xf32, #tpu.memory_space<vmem>> -> memref<128x256xf32, #tpu.memory_space<vmem>>
    %dma_wait3A_271 = arith.constant 0 : i32
    %dma_wait3A_272 = tpu.memref_slice %arg5[%sub3A_22, %dma_wait3A_271] : memref<16x128xi32, #tpu.memory_space<vmem>> -> memref<1x128xi32, #tpu.memory_space<vmem>>
    %dma_wait3A_273 = tpu.memref_squeeze %dma_wait3A_272 : memref<1x128xi32, #tpu.memory_space<vmem>> -> memref<128xi32, #tpu.memory_space<vmem>>
    %dma_wait3A_274 = arith.constant 0 : i32
    %dma_wait3A_275 = arith.constant 0 : i32
    %dma_wait3A_276 = tpu.memref_slice %arg3[%dma_wait3A_274, %dma_wait3A_275] : memref<100000x256xf32, #tpu.memory_space<hbm>> -> memref<100000x256xf32, #tpu.memory_space<hbm>>
    %dma_wait3A_277 = tpu.memref_slice %arg7[%dma_wait3A_266] : memref<3x!tpu.dma_semaphore, #tpu.memory_space<semaphore_mem>> -> memref<1x!tpu.dma_semaphore, #tpu.memory_space<semaphore_mem>>
    %dma_wait3A_278 = tpu.memref_squeeze %dma_wait3A_277 : memref<1x!tpu.dma_semaphore, #tpu.memory_space<semaphore_mem>> -> memref<!tpu.dma_semaphore, #tpu.memory_space<semaphore_mem>>
    tpu.wait_indirect_dma semaphore(%dma_wait3A_278 : memref<!tpu.dma_semaphore, #tpu.memory_space<semaphore_mem>>) src(%dma_wait3A_276 : memref<100000x256xf32, #tpu.memory_space<hbm>>) dst(%dma_wait3A_270 : memref<128x256xf32, #tpu.memory_space<vmem>>)
    %add3A_279 = arith.constant 4 : i32
    %add3A_280 = arith.addi %mul3A_2, %add3A_279 : i32
    %mul3A_281 = arith.constant 128 : i32
    %mul3A_282 = arith.muli %add3A_280, %mul3A_281 : i32
    %dma_start3A_283 = arith.constant 1 : i32
    %dma_start3A_284 = arith.constant 1 : i32
    %dma_start3A_285 = arith.constant 0 : i32
    %dma_start3A_286 = arith.constant 0 : i32
    %dma_start3A_287 = tpu.memref_slice %arg6[%dma_start3A_283, %dma_start3A_285, %dma_start3A_286] : memref<3x128x256xf32, #tpu.memory_space<vmem>> -> memref<1x128x256xf32, #tpu.memory_space<vmem>>
    %dma_start3A_288 = tpu.memref_squeeze %dma_start3A_287 : memref<1x128x256xf32, #tpu.memory_space<vmem>> -> memref<128x256xf32, #tpu.memory_space<vmem>>
    %dma_start3A_289 = arith.constant 0 : i32
    %dma_start3A_290 = tpu.memref_slice %arg4[%mul3A_282, %dma_start3A_289] : memref<20480x256xf32, #tpu.memory_space<hbm>> -> memref<128x256xf32, #tpu.memory_space<hbm>>
    %dma_start3A_291 = tpu.memref_slice %arg8[%dma_start3A_284] : memref<3x!tpu.dma_semaphore, #tpu.memory_space<semaphore_mem>> -> memref<1x!tpu.dma_semaphore, #tpu.memory_space<semaphore_mem>>
    %dma_start3A_292 = tpu.memref_squeeze %dma_start3A_291 : memref<1x!tpu.dma_semaphore, #tpu.memory_space<semaphore_mem>> -> memref<!tpu.dma_semaphore, #tpu.memory_space<semaphore_mem>>
    %dma_start3A_293 = arith.constant 0 : i32
    %dma_start3A_294 = tpu.memref_slice %arg4[%mul3A_282, %dma_start3A_293] : memref<20480x256xf32, #tpu.memory_space<hbm>> -> memref<128x256xf32, #tpu.memory_space<hbm>>
    %dma_start3A_295 = arith.constant 0 : i32
    %dma_start3A_296 = arith.constant 0 : i32
    %dma_start3A_297 = tpu.memref_slice %arg6[%dma_start3A_283, %dma_start3A_295, %dma_start3A_296] : memref<3x128x256xf32, #tpu.memory_space<vmem>> -> memref<1x128x256xf32, #tpu.memory_space<vmem>>
    %dma_start3A_298 = tpu.memref_squeeze %dma_start3A_297 : memref<1x128x256xf32, #tpu.memory_space<vmem>> -> memref<128x256xf32, #tpu.memory_space<vmem>>
    tpu.enqueue_dma source(%dma_start3A_298 : memref<128x256xf32, #tpu.memory_space<vmem>>) target(%dma_start3A_294 : memref<128x256xf32, #tpu.memory_space<hbm>>) target_semaphore(%dma_start3A_292 : memref<!tpu.dma_semaphore, #tpu.memory_space<semaphore_mem>>)
    %dma_wait3A_299 = arith.constant 2 : i32
    %dma_wait3A_300 = arith.constant 2 : i32
    %dma_wait3A_301 = arith.constant 0 : i32
    %dma_wait3A_302 = arith.constant 0 : i32
    %dma_wait3A_303 = tpu.memref_slice %arg6[%dma_wait3A_299, %dma_wait3A_301, %dma_wait3A_302] : memref<3x128x256xf32, #tpu.memory_space<vmem>> -> memref<1x128x256xf32, #tpu.memory_space<vmem>>
    %dma_wait3A_304 = tpu.memref_squeeze %dma_wait3A_303 : memref<1x128x256xf32, #tpu.memory_space<vmem>> -> memref<128x256xf32, #tpu.memory_space<vmem>>
    %dma_wait3A_305 = arith.constant 0 : i32
    %dma_wait3A_306 = tpu.memref_slice %arg5[%sub3A_22, %dma_wait3A_305] : memref<16x128xi32, #tpu.memory_space<vmem>> -> memref<1x128xi32, #tpu.memory_space<vmem>>
    %dma_wait3A_307 = tpu.memref_squeeze %dma_wait3A_306 : memref<1x128xi32, #tpu.memory_space<vmem>> -> memref<128xi32, #tpu.memory_space<vmem>>
    %dma_wait3A_308 = arith.constant 0 : i32
    %dma_wait3A_309 = arith.constant 0 : i32
    %dma_wait3A_310 = tpu.memref_slice %arg3[%dma_wait3A_308, %dma_wait3A_309] : memref<100000x256xf32, #tpu.memory_space<hbm>> -> memref<100000x256xf32, #tpu.memory_space<hbm>>
    %dma_wait3A_311 = tpu.memref_slice %arg8[%dma_wait3A_300] : memref<3x!tpu.dma_semaphore, #tpu.memory_space<semaphore_mem>> -> memref<1x!tpu.dma_semaphore, #tpu.memory_space<semaphore_mem>>
    %dma_wait3A_312 = tpu.memref_squeeze %dma_wait3A_311 : memref<1x!tpu.dma_semaphore, #tpu.memory_space<semaphore_mem>> -> memref<!tpu.dma_semaphore, #tpu.memory_space<semaphore_mem>>
    tpu.wait_indirect_dma semaphore(%dma_wait3A_312 : memref<!tpu.dma_semaphore, #tpu.memory_space<semaphore_mem>>) src(%dma_wait3A_310 : memref<100000x256xf32, #tpu.memory_space<hbm>>) dst(%dma_wait3A_304 : memref<128x256xf32, #tpu.memory_space<vmem>>)
    %dma_wait3A_313 = arith.constant 0 : i32
    %dma_wait3A_314 = arith.constant 0 : i32
    %dma_wait3A_315 = arith.constant 0 : i32
    %dma_wait3A_316 = arith.constant 0 : i32
    %dma_wait3A_317 = tpu.memref_slice %arg6[%dma_wait3A_313, %dma_wait3A_315, %dma_wait3A_316] : memref<3x128x256xf32, #tpu.memory_space<vmem>> -> memref<1x128x256xf32, #tpu.memory_space<vmem>>
    %dma_wait3A_318 = tpu.memref_squeeze %dma_wait3A_317 : memref<1x128x256xf32, #tpu.memory_space<vmem>> -> memref<128x256xf32, #tpu.memory_space<vmem>>
    %dma_wait3A_319 = arith.constant 0 : i32
    %dma_wait3A_320 = tpu.memref_slice %arg5[%sub3A_22, %dma_wait3A_319] : memref<16x128xi32, #tpu.memory_space<vmem>> -> memref<1x128xi32, #tpu.memory_space<vmem>>
    %dma_wait3A_321 = tpu.memref_squeeze %dma_wait3A_320 : memref<1x128xi32, #tpu.memory_space<vmem>> -> memref<128xi32, #tpu.memory_space<vmem>>
    %dma_wait3A_322 = arith.constant 0 : i32
    %dma_wait3A_323 = arith.constant 0 : i32
    %dma_wait3A_324 = tpu.memref_slice %arg3[%dma_wait3A_322, %dma_wait3A_323] : memref<100000x256xf32, #tpu.memory_space<hbm>> -> memref<100000x256xf32, #tpu.memory_space<hbm>>
    %dma_wait3A_325 = tpu.memref_slice %arg8[%dma_wait3A_314] : memref<3x!tpu.dma_semaphore, #tpu.memory_space<semaphore_mem>> -> memref<1x!tpu.dma_semaphore, #tpu.memory_space<semaphore_mem>>
    %dma_wait3A_326 = tpu.memref_squeeze %dma_wait3A_325 : memref<1x!tpu.dma_semaphore, #tpu.memory_space<semaphore_mem>> -> memref<!tpu.dma_semaphore, #tpu.memory_space<semaphore_mem>>
    tpu.wait_indirect_dma semaphore(%dma_wait3A_326 : memref<!tpu.dma_semaphore, #tpu.memory_space<semaphore_mem>>) src(%dma_wait3A_324 : memref<100000x256xf32, #tpu.memory_space<hbm>>) dst(%dma_wait3A_318 : memref<128x256xf32, #tpu.memory_space<vmem>>)
    %dma_wait3A_327 = arith.constant 1 : i32
    %dma_wait3A_328 = arith.constant 1 : i32
    %dma_wait3A_329 = arith.constant 0 : i32
    %dma_wait3A_330 = arith.constant 0 : i32
    %dma_wait3A_331 = tpu.memref_slice %arg6[%dma_wait3A_327, %dma_wait3A_329, %dma_wait3A_330] : memref<3x128x256xf32, #tpu.memory_space<vmem>> -> memref<1x128x256xf32, #tpu.memory_space<vmem>>
    %dma_wait3A_332 = tpu.memref_squeeze %dma_wait3A_331 : memref<1x128x256xf32, #tpu.memory_space<vmem>> -> memref<128x256xf32, #tpu.memory_space<vmem>>
    %dma_wait3A_333 = arith.constant 0 : i32
    %dma_wait3A_334 = tpu.memref_slice %arg5[%sub3A_22, %dma_wait3A_333] : memref<16x128xi32, #tpu.memory_space<vmem>> -> memref<1x128xi32, #tpu.memory_space<vmem>>
    %dma_wait3A_335 = tpu.memref_squeeze %dma_wait3A_334 : memref<1x128xi32, #tpu.memory_space<vmem>> -> memref<128xi32, #tpu.memory_space<vmem>>
    %dma_wait3A_336 = arith.constant 0 : i32
    %dma_wait3A_337 = arith.constant 0 : i32
    %dma_wait3A_338 = tpu.memref_slice %arg3[%dma_wait3A_336, %dma_wait3A_337] : memref<100000x256xf32, #tpu.memory_space<hbm>> -> memref<100000x256xf32, #tpu.memory_space<hbm>>
    %dma_wait3A_339 = tpu.memref_slice %arg8[%dma_wait3A_328] : memref<3x!tpu.dma_semaphore, #tpu.memory_space<semaphore_mem>> -> memref<1x!tpu.dma_semaphore, #tpu.memory_space<semaphore_mem>>
    %dma_wait3A_340 = tpu.memref_squeeze %dma_wait3A_339 : memref<1x!tpu.dma_semaphore, #tpu.memory_space<semaphore_mem>> -> memref<!tpu.dma_semaphore, #tpu.memory_space<semaphore_mem>>
    tpu.wait_indirect_dma semaphore(%dma_wait3A_340 : memref<!tpu.dma_semaphore, #tpu.memory_space<semaphore_mem>>) src(%dma_wait3A_338 : memref<100000x256xf32, #tpu.memory_space<hbm>>) dst(%dma_wait3A_332 : memref<128x256xf32, #tpu.memory_space<vmem>>)
    return
  }
}

module attributes {stable_mosaic.version = 14 : i64} {
  func.func @_relayout_body(%arg0: i32, %arg1: memref<10x1024x256xf32, #tpu.memory_space<vmem>>, %arg2: memref<8x10x32x1024xf32, #tpu.memory_space<vmem>>) attributes {dimension_semantics = [#tpu.dimension_semantics<arbitrary>], iteration_bounds = array<i64: 2>, scalar_prefetch = 0 : i64, scratch_operands = 0 : i64, tpu.core_type = #tpu.core_type<tc>, window_params = [{transform_indices = @transform_0, window_bounds = array<i64: 10, 1024, 256>}, {transform_indices = @transform_1, window_bounds = array<i64: 8, 10, 32, 1024>}]} {
    %get3A = arith.constant 0 : index
    %get3A_0 = arith.constant 0 : index
    %get3A_1 = arith.constant 0 : index
    %get3A_2 = vector.load %arg1[%get3A, %get3A_0, %get3A_1] : memref<10x1024x256xf32, #tpu.memory_space<vmem>>, vector<1x1024x256xf32>
    %get3A_3 = vector.shape_cast %get3A_2 : vector<1x1024x256xf32> to vector<1024x256xf32>
    %transpose3A = tpu.transpose %get3A_3, [1, 0] : vector<1024x256xf32> -> vector<256x1024xf32>
    %reshape3A = vector.shape_cast %transpose3A : vector<256x1024xf32> to vector<8x32x1024xf32>
    %swap3A = arith.constant 0 : index
    %swap3A_4 = arith.constant 0 : index
    %swap3A_5 = arith.constant 0 : index
    %swap3A_6 = arith.constant 0 : index
    %swap3A_7 = vector.load %arg2[%swap3A, %swap3A_4, %swap3A_5, %swap3A_6] : memref<8x10x32x1024xf32, #tpu.memory_space<vmem>>, vector<8x1x32x1024xf32>
    %swap3A_8 = vector.shape_cast %swap3A_7 : vector<8x1x32x1024xf32> to vector<8x32x1024xf32>
    %swap3A_9 = vector.shape_cast %reshape3A : vector<8x32x1024xf32> to vector<8x1x32x1024xf32>
    tpu.vector_store %arg2[%swap3A, %swap3A_4, %swap3A_5, %swap3A_6], %swap3A_9 {strides = array<i32>} : memref<8x10x32x1024xf32, #tpu.memory_space<vmem>>, vector<8x1x32x1024xf32>,
    %get3A_10 = arith.constant 1 : index
    %get3A_11 = arith.constant 0 : index
    %get3A_12 = arith.constant 0 : index
    %get3A_13 = vector.load %arg1[%get3A_10, %get3A_11, %get3A_12] : memref<10x1024x256xf32, #tpu.memory_space<vmem>>, vector<1x1024x256xf32>
    %get3A_14 = vector.shape_cast %get3A_13 : vector<1x1024x256xf32> to vector<1024x256xf32>
    %transpose3A_15 = tpu.transpose %get3A_14, [1, 0] : vector<1024x256xf32> -> vector<256x1024xf32>
    %reshape3A_16 = vector.shape_cast %transpose3A_15 : vector<256x1024xf32> to vector<8x32x1024xf32>
    %swap3A_17 = arith.constant 0 : index
    %swap3A_18 = arith.constant 1 : index
    %swap3A_19 = arith.constant 0 : index
    %swap3A_20 = arith.constant 0 : index
    %swap3A_21 = vector.load %arg2[%swap3A_17, %swap3A_18, %swap3A_19, %swap3A_20] : memref<8x10x32x1024xf32, #tpu.memory_space<vmem>>, vector<8x1x32x1024xf32>
    %swap3A_22 = vector.shape_cast %swap3A_21 : vector<8x1x32x1024xf32> to vector<8x32x1024xf32>
    %swap3A_23 = vector.shape_cast %reshape3A_16 : vector<8x32x1024xf32> to vector<8x1x32x1024xf32>
    tpu.vector_store %arg2[%swap3A_17, %swap3A_18, %swap3A_19, %swap3A_20], %swap3A_23 {strides = array<i32>} : memref<8x10x32x1024xf32, #tpu.memory_space<vmem>>, vector<8x1x32x1024xf32>,
    %get3A_24 = arith.constant 2 : index
    %get3A_25 = arith.constant 0 : index
    %get3A_26 = arith.constant 0 : index
    %get3A_27 = vector.load %arg1[%get3A_24, %get3A_25, %get3A_26] : memref<10x1024x256xf32, #tpu.memory_space<vmem>>, vector<1x1024x256xf32>
    %get3A_28 = vector.shape_cast %get3A_27 : vector<1x1024x256xf32> to vector<1024x256xf32>
    %transpose3A_29 = tpu.transpose %get3A_28, [1, 0] : vector<1024x256xf32> -> vector<256x1024xf32>
    %reshape3A_30 = vector.shape_cast %transpose3A_29 : vector<256x1024xf32> to vector<8x32x1024xf32>
    %swap3A_31 = arith.constant 0 : index
    %swap3A_32 = arith.constant 2 : index
    %swap3A_33 = arith.constant 0 : index
    %swap3A_34 = arith.constant 0 : index
    %swap3A_35 = vector.load %arg2[%swap3A_31, %swap3A_32, %swap3A_33, %swap3A_34] : memref<8x10x32x1024xf32, #tpu.memory_space<vmem>>, vector<8x1x32x1024xf32>
    %swap3A_36 = vector.shape_cast %swap3A_35 : vector<8x1x32x1024xf32> to vector<8x32x1024xf32>
    %swap3A_37 = vector.shape_cast %reshape3A_30 : vector<8x32x1024xf32> to vector<8x1x32x1024xf32>
    tpu.vector_store %arg2[%swap3A_31, %swap3A_32, %swap3A_33, %swap3A_34], %swap3A_37 {strides = array<i32>} : memref<8x10x32x1024xf32, #tpu.memory_space<vmem>>, vector<8x1x32x1024xf32>,
    %get3A_38 = arith.constant 3 : index
    %get3A_39 = arith.constant 0 : index
    %get3A_40 = arith.constant 0 : index
    %get3A_41 = vector.load %arg1[%get3A_38, %get3A_39, %get3A_40] : memref<10x1024x256xf32, #tpu.memory_space<vmem>>, vector<1x1024x256xf32>
    %get3A_42 = vector.shape_cast %get3A_41 : vector<1x1024x256xf32> to vector<1024x256xf32>
    %transpose3A_43 = tpu.transpose %get3A_42, [1, 0] : vector<1024x256xf32> -> vector<256x1024xf32>
    %reshape3A_44 = vector.shape_cast %transpose3A_43 : vector<256x1024xf32> to vector<8x32x1024xf32>
    %swap3A_45 = arith.constant 0 : index
    %swap3A_46 = arith.constant 3 : index
    %swap3A_47 = arith.constant 0 : index
    %swap3A_48 = arith.constant 0 : index
    %swap3A_49 = vector.load %arg2[%swap3A_45, %swap3A_46, %swap3A_47, %swap3A_48] : memref<8x10x32x1024xf32, #tpu.memory_space<vmem>>, vector<8x1x32x1024xf32>
    %swap3A_50 = vector.shape_cast %swap3A_49 : vector<8x1x32x1024xf32> to vector<8x32x1024xf32>
    %swap3A_51 = vector.shape_cast %reshape3A_44 : vector<8x32x1024xf32> to vector<8x1x32x1024xf32>
    tpu.vector_store %arg2[%swap3A_45, %swap3A_46, %swap3A_47, %swap3A_48], %swap3A_51 {strides = array<i32>} : memref<8x10x32x1024xf32, #tpu.memory_space<vmem>>, vector<8x1x32x1024xf32>,
    %get3A_52 = arith.constant 4 : index
    %get3A_53 = arith.constant 0 : index
    %get3A_54 = arith.constant 0 : index
    %get3A_55 = vector.load %arg1[%get3A_52, %get3A_53, %get3A_54] : memref<10x1024x256xf32, #tpu.memory_space<vmem>>, vector<1x1024x256xf32>
    %get3A_56 = vector.shape_cast %get3A_55 : vector<1x1024x256xf32> to vector<1024x256xf32>
    %transpose3A_57 = tpu.transpose %get3A_56, [1, 0] : vector<1024x256xf32> -> vector<256x1024xf32>
    %reshape3A_58 = vector.shape_cast %transpose3A_57 : vector<256x1024xf32> to vector<8x32x1024xf32>
    %swap3A_59 = arith.constant 0 : index
    %swap3A_60 = arith.constant 4 : index
    %swap3A_61 = arith.constant 0 : index
    %swap3A_62 = arith.constant 0 : index
    %swap3A_63 = vector.load %arg2[%swap3A_59, %swap3A_60, %swap3A_61, %swap3A_62] : memref<8x10x32x1024xf32, #tpu.memory_space<vmem>>, vector<8x1x32x1024xf32>
    %swap3A_64 = vector.shape_cast %swap3A_63 : vector<8x1x32x1024xf32> to vector<8x32x1024xf32>
    %swap3A_65 = vector.shape_cast %reshape3A_58 : vector<8x32x1024xf32> to vector<8x1x32x1024xf32>
    tpu.vector_store %arg2[%swap3A_59, %swap3A_60, %swap3A_61, %swap3A_62], %swap3A_65 {strides = array<i32>} : memref<8x10x32x1024xf32, #tpu.memory_space<vmem>>, vector<8x1x32x1024xf32>,
    %get3A_66 = arith.constant 5 : index
    %get3A_67 = arith.constant 0 : index
    %get3A_68 = arith.constant 0 : index
    %get3A_69 = vector.load %arg1[%get3A_66, %get3A_67, %get3A_68] : memref<10x1024x256xf32, #tpu.memory_space<vmem>>, vector<1x1024x256xf32>
    %get3A_70 = vector.shape_cast %get3A_69 : vector<1x1024x256xf32> to vector<1024x256xf32>
    %transpose3A_71 = tpu.transpose %get3A_70, [1, 0] : vector<1024x256xf32> -> vector<256x1024xf32>
    %reshape3A_72 = vector.shape_cast %transpose3A_71 : vector<256x1024xf32> to vector<8x32x1024xf32>
    %swap3A_73 = arith.constant 0 : index
    %swap3A_74 = arith.constant 5 : index
    %swap3A_75 = arith.constant 0 : index
    %swap3A_76 = arith.constant 0 : index
    %swap3A_77 = vector.load %arg2[%swap3A_73, %swap3A_74, %swap3A_75, %swap3A_76] : memref<8x10x32x1024xf32, #tpu.memory_space<vmem>>, vector<8x1x32x1024xf32>
    %swap3A_78 = vector.shape_cast %swap3A_77 : vector<8x1x32x1024xf32> to vector<8x32x1024xf32>
    %swap3A_79 = vector.shape_cast %reshape3A_72 : vector<8x32x1024xf32> to vector<8x1x32x1024xf32>
    tpu.vector_store %arg2[%swap3A_73, %swap3A_74, %swap3A_75, %swap3A_76], %swap3A_79 {strides = array<i32>} : memref<8x10x32x1024xf32, #tpu.memory_space<vmem>>, vector<8x1x32x1024xf32>,
    %get3A_80 = arith.constant 6 : index
    %get3A_81 = arith.constant 0 : index
    %get3A_82 = arith.constant 0 : index
    %get3A_83 = vector.load %arg1[%get3A_80, %get3A_81, %get3A_82] : memref<10x1024x256xf32, #tpu.memory_space<vmem>>, vector<1x1024x256xf32>
    %get3A_84 = vector.shape_cast %get3A_83 : vector<1x1024x256xf32> to vector<1024x256xf32>
    %transpose3A_85 = tpu.transpose %get3A_84, [1, 0] : vector<1024x256xf32> -> vector<256x1024xf32>
    %reshape3A_86 = vector.shape_cast %transpose3A_85 : vector<256x1024xf32> to vector<8x32x1024xf32>
    %swap3A_87 = arith.constant 0 : index
    %swap3A_88 = arith.constant 6 : index
    %swap3A_89 = arith.constant 0 : index
    %swap3A_90 = arith.constant 0 : index
    %swap3A_91 = vector.load %arg2[%swap3A_87, %swap3A_88, %swap3A_89, %swap3A_90] : memref<8x10x32x1024xf32, #tpu.memory_space<vmem>>, vector<8x1x32x1024xf32>
    %swap3A_92 = vector.shape_cast %swap3A_91 : vector<8x1x32x1024xf32> to vector<8x32x1024xf32>
    %swap3A_93 = vector.shape_cast %reshape3A_86 : vector<8x32x1024xf32> to vector<8x1x32x1024xf32>
    tpu.vector_store %arg2[%swap3A_87, %swap3A_88, %swap3A_89, %swap3A_90], %swap3A_93 {strides = array<i32>} : memref<8x10x32x1024xf32, #tpu.memory_space<vmem>>, vector<8x1x32x1024xf32>,
    %get3A_94 = arith.constant 7 : index
    %get3A_95 = arith.constant 0 : index
    %get3A_96 = arith.constant 0 : index
    %get3A_97 = vector.load %arg1[%get3A_94, %get3A_95, %get3A_96] : memref<10x1024x256xf32, #tpu.memory_space<vmem>>, vector<1x1024x256xf32>
    %get3A_98 = vector.shape_cast %get3A_97 : vector<1x1024x256xf32> to vector<1024x256xf32>
    %transpose3A_99 = tpu.transpose %get3A_98, [1, 0] : vector<1024x256xf32> -> vector<256x1024xf32>
    %reshape3A_100 = vector.shape_cast %transpose3A_99 : vector<256x1024xf32> to vector<8x32x1024xf32>
    %swap3A_101 = arith.constant 0 : index
    %swap3A_102 = arith.constant 7 : index
    %swap3A_103 = arith.constant 0 : index
    %swap3A_104 = arith.constant 0 : index
    %swap3A_105 = vector.load %arg2[%swap3A_101, %swap3A_102, %swap3A_103, %swap3A_104] : memref<8x10x32x1024xf32, #tpu.memory_space<vmem>>, vector<8x1x32x1024xf32>
    %swap3A_106 = vector.shape_cast %swap3A_105 : vector<8x1x32x1024xf32> to vector<8x32x1024xf32>
    %swap3A_107 = vector.shape_cast %reshape3A_100 : vector<8x32x1024xf32> to vector<8x1x32x1024xf32>
    tpu.vector_store %arg2[%swap3A_101, %swap3A_102, %swap3A_103, %swap3A_104], %swap3A_107 {strides = array<i32>} : memref<8x10x32x1024xf32, #tpu.memory_space<vmem>>, vector<8x1x32x1024xf32>,
    %get3A_108 = arith.constant 8 : index
    %get3A_109 = arith.constant 0 : index
    %get3A_110 = arith.constant 0 : index
    %get3A_111 = vector.load %arg1[%get3A_108, %get3A_109, %get3A_110] : memref<10x1024x256xf32, #tpu.memory_space<vmem>>, vector<1x1024x256xf32>
    %get3A_112 = vector.shape_cast %get3A_111 : vector<1x1024x256xf32> to vector<1024x256xf32>
    %transpose3A_113 = tpu.transpose %get3A_112, [1, 0] : vector<1024x256xf32> -> vector<256x1024xf32>
    %reshape3A_114 = vector.shape_cast %transpose3A_113 : vector<256x1024xf32> to vector<8x32x1024xf32>
    %swap3A_115 = arith.constant 0 : index
    %swap3A_116 = arith.constant 8 : index
    %swap3A_117 = arith.constant 0 : index
    %swap3A_118 = arith.constant 0 : index
    %swap3A_119 = vector.load %arg2[%swap3A_115, %swap3A_116, %swap3A_117, %swap3A_118] : memref<8x10x32x1024xf32, #tpu.memory_space<vmem>>, vector<8x1x32x1024xf32>
    %swap3A_120 = vector.shape_cast %swap3A_119 : vector<8x1x32x1024xf32> to vector<8x32x1024xf32>
    %swap3A_121 = vector.shape_cast %reshape3A_114 : vector<8x32x1024xf32> to vector<8x1x32x1024xf32>
    tpu.vector_store %arg2[%swap3A_115, %swap3A_116, %swap3A_117, %swap3A_118], %swap3A_121 {strides = array<i32>} : memref<8x10x32x1024xf32, #tpu.memory_space<vmem>>, vector<8x1x32x1024xf32>,
    %get3A_122 = arith.constant 9 : index
    %get3A_123 = arith.constant 0 : index
    %get3A_124 = arith.constant 0 : index
    %get3A_125 = vector.load %arg1[%get3A_122, %get3A_123, %get3A_124] : memref<10x1024x256xf32, #tpu.memory_space<vmem>>, vector<1x1024x256xf32>
    %get3A_126 = vector.shape_cast %get3A_125 : vector<1x1024x256xf32> to vector<1024x256xf32>
    %transpose3A_127 = tpu.transpose %get3A_126, [1, 0] : vector<1024x256xf32> -> vector<256x1024xf32>
    %reshape3A_128 = vector.shape_cast %transpose3A_127 : vector<256x1024xf32> to vector<8x32x1024xf32>
    %swap3A_129 = arith.constant 0 : index
    %swap3A_130 = arith.constant 9 : index
    %swap3A_131 = arith.constant 0 : index
    %swap3A_132 = arith.constant 0 : index
    %swap3A_133 = vector.load %arg2[%swap3A_129, %swap3A_130, %swap3A_131, %swap3A_132] : memref<8x10x32x1024xf32, #tpu.memory_space<vmem>>, vector<8x1x32x1024xf32>
    %swap3A_134 = vector.shape_cast %swap3A_133 : vector<8x1x32x1024xf32> to vector<8x32x1024xf32>
    %swap3A_135 = vector.shape_cast %reshape3A_128 : vector<8x32x1024xf32> to vector<8x1x32x1024xf32>
    tpu.vector_store %arg2[%swap3A_129, %swap3A_130, %swap3A_131, %swap3A_132], %swap3A_135 {strides = array<i32>} : memref<8x10x32x1024xf32, #tpu.memory_space<vmem>>, vector<8x1x32x1024xf32>,
    return
  }
  func.func @transform_0(%arg0: i32) -> (i32, i32, i32) {
    %c0_i32 = arith.constant 0 : i32
    %c0_i32_0 = arith.constant 0 : i32
    %c0_i32_1 = arith.constant 0 : i32
    return %arg0, %c0_i32, %c0_i32_0 : i32, i32, i32
  }
  func.func @transform_1(%arg0: i32) -> (i32, i32, i32, i32) {
    %c0_i32 = arith.constant 0 : i32
    %c0_i32_0 = arith.constant 0 : i32
    %c0_i32_1 = arith.constant 0 : i32
    %c0_i32_2 = arith.constant 0 : i32
    return %c0_i32, %arg0, %c0_i32_0, %c0_i32_1 : i32, i32, i32, i32
  }
}

</mosaic_0001>

<sc_bundles>
// kernel: kernel.4.cloned.1.call-start
scs
__scs_entry_jumppad:
0x0: {  	(pc) =	sbr.rel $0x88, $3  }
0x1: {  	(tag) =	ssettag $0x0;
	lr =	simm.s32 $0x1  }
0x2: {  	[smem:$0x3F9F] =	sst lr;
	_ =	strace $0xD0000000  }
0x3: {  	_ = 	snop  }
0x4: {  	_ = 	snop  }
0x5: {  	_ = 	snop  }
0x6: {  	_ = 	snop  }
0x7: {  	_ = 	snop  }
__scs_overlays_trampoline_lowered:
0x8: {  	[smem:$0x3FAE] =	sst s0  }
0x9: {  	[smem:$0x3FAF] =	sst s1  }
0xa: {  	[smem:$0x3FB0] =	sst s2  }
0xb: {  	[smem:$0x3FB1] =	sst s3  }
0xc: {  	[smem:$0x3FB2] =	sst s4  }
0xd: {  	[smem:$0x3FB3] =	sst s5  }
0xe: {  	[smem:$0x3FB4] =	sst s6  }
0xf: {  	[smem:$0x3FB5] =	sst s7  }
0x10: {  	[smem:$0x3FB6] =	sst s8  }
0x11: {  	[smem:$0x3FB7] =	sst s9;
	s0 =	simm.s32 @!p0 $0x0  }
0x12: {  	s1 =	sld [smem:$0x3F9D];
	s0 =	simm.s32 @p0 $0x1  }
0x13: {  	[smem:$0x3FB8] =	sst s0;
	s0 =	simm.s32 @!p1 $0x0  }
0x14: {  	s2 =	sld [smem:$0x3F9C];
	s0 =	simm.s32 @p1 $0x1  }
0x15: {  	[smem:$0x3FB9] =	sst s0;
	s0 =	simm.s32 @!p2 $0x0  }
0x16: {  	s3 =	sld [smem:$0x3FDB];
	s0 =	simm.s32 @p2 $0x1  }
0x17: {  	s4 =	simm.s32 $0x1BF5;
	[smem:$0x3FBB] =	sst s0  }
0x18: {  	s0 =	sld [smem:$0x3F9E];
	_ =	swait.ge [sflag:s4], $0x0  }
0x19: {  	s7 =	sld [smem:$0x3F9F]  }
0x1a: {  	s8 =	sadd.s32 $0xFFFFE003, lr  }
0x1b: {  	s9 =	sadd.s32 $0xFFFFFEF7, lr;
	s5 =	simm.s32 $0xFFFFFFFF;
	p2 =	slt.u32 s8, $0xFFFFF086  }
0x1c: {  	p1 =	slt.u32 s9, $0xF7A;
	s5 =	simm.s32 @!p2 $0x0  }
0x1d: {  	s5 =	simm.s32 @p1 $0x1;
	p0 =	seq.s32 s7, s2  }
0x1e: {  	s7 =	smul.u32 @!p0 $0xF7A, s2;
	p2 =	seq.s32 @!p0 s5, $0x0  }
0x1f: {  	s9 =	smul.u32 $0xF7A, s1;
	s8 =	simm.s32 @!p0 $0x1BF5;
	p2 =	por !p2, p0  }
0x20: {  	[sflag:s8] =	ssyncset.s32 @!p0 $0xFFFFF086;
	s6 =	sadd.s32 @!p0 s3, s7;
	s7 =	simm.s32 @!p0 $0x108  }
0x21: {  	s3 =	sadd.s32 s3, s9;
	s6 =	sadd.s32 @!p0 $0x88, s6;
	s7 =	simm.s32 @p2 $0x1082  }
0x22: {  	[simem:s7], [sflag:s8] =	dma.local @!p0 [hbm:s6], $0xF7A  }
0x23: {  	s9 =	sor.u32 $0xD0000000, s2;
	s6 =	simm.s32 $0x108;
	_ =	swait.ge @!p0 [sflag:s8], $0x0  }
0x24: {  	s3 =	sadd.s32 $0x88, s3;
	s6 =	simm.s32 @!p1 $0x1082;
	[sflag:s4] =	ssyncset.s32 $0xFFFFF086  }
0x25: {  	[simem:s6], [sflag:s4] =	dma.local [hbm:s3], $0xF7A  }
0x26: {  	[smem:$0x3F9F] =	sst s1;
	(tag) =	ssettag s2;
	_ =	strace s9  }
0x27: {  	s1 =	sld [smem:$0x3FAF]  }
0x28: {  	s2 =	sld [smem:$0x3FB0]  }
0x29: {  	s4 =	sld [smem:$0x3FB2]  }
0x2a: {  	p0 =	seq.s32 s5, $0x0;
	s5 =	sld [smem:$0x3FB3]  }
0x2b: {  	s6 =	sld [smem:$0x3FB4]  }
0x2c: {  	s7 =	sld [smem:$0x3FB5]  }
0x2d: {  	s3 =	simm.s32 $0x108;
	s8 =	sld [smem:$0x3FB6]  }
0x2e: {  	s3 =	simm.s32 @!p0 $0x1082;
	s9 =	sld [smem:$0x3FB7]  }
0x2f: {  	lr =	sadd.s32 s0, s3;
	s0 =	sld [smem:$0x3FAE]  }
0x30: {  	s3 =	sld [smem:$0x3FB1]  }
0x31: {  	[smem:$0x3FBA] =	sst s10  }
0x32: {  	s10 =	sld [smem:$0x3FB8];
	_ =	sdelay $0x3  }
0x33: {  	p0 =	seq.s32 s10, $0x1;
	s10 =	sld [smem:$0x3FBA];
	_ =	sdelay $0x3  }
0x34: {  	[smem:$0x3FBA] =	sst s10  }
0x35: {  	s10 =	sld [smem:$0x3FB9];
	_ =	sdelay $0x3  }
0x36: {  	p1 =	seq.s32 s10, $0x1;
	s10 =	sld [smem:$0x3FBA];
	_ =	sdelay $0x3  }
0x37: {  	[smem:$0x3FBA] =	sst s10  }
0x38: {  	s10 =	sld [smem:$0x3FBB]  }
0x39: {  	_ = 	snop;
	(pc) =	sbr.ind lr, $3  }
0x3a: {  	_ = 	snop  }
0x3b: {  	_ = 	snop  }
0x3c: {  	p2 =	seq.s32 s10, $0x1;
	s10 =	sld [smem:$0x3FBA]  }
0x3d: {  	_ =	shalt  }
0x3e: {  	_ =	shalt  }
0x3f: {  	_ =	shalt  }
0x40: {  	_ =	shalt  }
0x41: {  	_ =	shalt  }
0x42: {  	_ =	shalt  }
0x43: {  	_ =	shalt  }
0x44: {  	_ =	shalt  }
0x45: {  	_ =	shalt  }
0x46: {  	_ =	shalt  }
0x47: {  	_ =	shalt  }
0x48: {  	_ =	shalt  }
0x49: {  	_ =	shalt  }
0x4a: {  	_ =	shalt  }
0x4b: {  	_ =	shalt  }
0x4c: {  	_ =	shalt  }
0x4d: {  	_ =	shalt  }
0x4e: {  	_ =	shalt  }
0x4f: {  	_ =	shalt  }
0x50: {  	_ =	shalt  }
0x51: {  	_ =	shalt  }
0x52: {  	_ =	shalt  }
0x53: {  	_ =	shalt  }
0x54: {  	_ =	shalt  }
0x55: {  	_ =	shalt  }
0x56: {  	_ =	shalt  }
0x57: {  	_ =	shalt  }
0x58: {  	_ =	shalt  }
0x59: {  	_ =	shalt  }
0x5a: {  	_ =	shalt  }
0x5b: {  	_ =	shalt  }
0x5c: {  	_ =	shalt  }
0x5d: {  	_ =	shalt  }
0x5e: {  	_ =	shalt  }
0x5f: {  	_ =	shalt  }
0x60: {  	_ =	shalt  }
0x61: {  	_ =	shalt  }
0x62: {  	_ =	shalt  }
0x63: {  	_ =	shalt  }
0x64: {  	_ =	shalt  }
0x65: {  	_ =	shalt  }
0x66: {  	_ =	shalt  }
0x67: {  	_ =	shalt  }
0x68: {  	_ =	shalt  }
0x69: {  	_ =	shalt  }
0x6a: {  	_ =	shalt  }
0x6b: {  	_ =	shalt  }
0x6c: {  	_ =	shalt  }
0x6d: {  	_ =	shalt  }
0x6e: {  	_ =	shalt  }
0x6f: {  	_ =	shalt  }
0x70: {  	_ =	shalt  }
0x71: {  	_ =	shalt  }
0x72: {  	_ =	shalt  }
0x73: {  	_ =	shalt  }
0x74: {  	_ =	shalt  }
0x75: {  	_ =	shalt  }
0x76: {  	_ =	shalt  }
0x77: {  	_ =	shalt  }
0x78: {  	_ =	shalt  }
0x79: {  	_ =	shalt  }
0x7a: {  	_ =	shalt  }
0x7b: {  	_ =	shalt  }
0x7c: {  	_ =	shalt  }
0x7d: {  	_ =	shalt  }
0x7e: {  	_ =	shalt  }
0x7f: {  	_ =	shalt  }
0x80: {  	_ =	shalt  }
0x81: {  	_ =	shalt  }
0x82: {  	_ =	shalt  }
0x83: {  	_ =	shalt  }
0x84: {  	_ =	shalt  }
0x85: {  	_ =	shalt  }
0x86: {  	_ =	shalt  }
0x87: {  	_ =	shalt  }
.Lfunc_end0:
.L_simem_size_0:
called_computation_lowered:
.L_overlay_start_0:
0x88: {  	s2 =	sld [smem:$0x3FD9]  }
0x89: {  	s3 =	sld [smem:$0x3FFE];
	_ =	sdelay $0x1  }
0x8a: {  	s1 =	srdreg.scid  }
0x8b: {  	s0 =	sand.u32 $0x1, s1  }
0x8c: {  	s17 =	sshll.u32 s0, $0xA;
	s2 =	sadd.s32 s3, s2  }
0x8d: {  	s2 =	sadd.s32 s2, s17  }
0x8e: {  	[smem:$0x3FC6] =	sst s2  }
0x8f: {  	_ = 	snop  }
0x90: {  	s2 =	sld [smem:$0x3FD0];
	(tm) =	ssettm $0x1  }
0x91: {  	s18 =	sld [smem:$0x3FFB];
	_ =	sdelay $0x3  }
0x92: {  	_ =	strace s18  }
0x93: {  	s3 =	sld [smem:$0x3FFC];
	_ =	sdelay $0x3  }
0x94: {  	_ =	strace s3  }
0x95: {  	s3 =	sld [smem:$0x3FFD];
	_ =	sdelay $0x3  }
0x96: {  	_ =	strace s3  }
0x97: {  	_ =	strace $0x8FFFFFFF  }
0x98: {  	s19 =	sld [smem:$0x3FDB];
	_ =	sdelay $0x1  }
0x99: {  	s4 =	simm.s32 $_scs_section_size  }
0x9a: {  	s5 =	simm.s32 $_size__tile_overlayer_lowered;
	s6 =	simm.s32 $_tile_overlayer_lowered  }
0x9b: {  	s22 =	simm.s32 $0x1BFF;
	s21 =	sshll.u32 s6, $0x1;
	s3 =	sadd.s32 s4, s19  }
0x9c: {  	s7 =	simm.s32 $0x0;
	s20 =	sshll.u32 s5, $0x1;
	s5 =	sadd.s32 s21, s3  }
0x9d: {  	[timem:s7], [sflag:s22] =	dma.local [hbm:s5], s20  }
0x9e: {  	_ =	swait.ge [sflag:s22], s20  }
0x9f: {  	s4 =	ssub.s32 $0x0, s20;
	[sflag:s22] =	ssyncset.done $0x0  }
0xa0: {  	[sflag:s22] =	ssyncadd.s32 s4;
	_ =	sdelay $0x1  }
0xa1: {  	s23 =	simm.s32 $0x1B8B  }
0xa2: {  	_ =	swait.ge [sflag:s23], $0x1  }
0xa3: {  	[sflag:s23] =	ssyncset.done $0x0  }
0xa4: {  	s25 =	simm.s32 $0x1B8E;
	s24 =	sld [smem:$0x3FFE];
	[sflag:s23] =	ssyncadd.s32 $0xFFFFFFFF  }
0xa5: {  	s26 =	simm.s32 $execute0_lowered;
	[smem:$0x3FD2] =	sst s25  }
0xa6: {  	s5 =	sshll.u32 s26, $0x1;
	_ =	strace $0x80000046;
	[dreg:$0x1] =	wrdreg $0xFFFFFFFF  }
0xa7: {  	s28 =	simm.s32 $_size_execute0_lowered;
	s3 =	sadd.s32 s3, s5;
	[dreg:$0x0] =	wrdreg $0x0  }
0xa8: {  	s5 =	sshll.u32 s28, $0x1;
	[dreg:$0x2] =	wrdreg s3  }
0xa9: {  	[dreg:$0x3] =	wrdreg s5  }
0xaa: {  	[dreg:$0x4] =	wrdreg $0xC0  }
0xab: {  	_ =	task [dreg:s7], $0x5FFFF  }
0xac: {  	[dreg:$0x1] =	wrdreg $0xFFFFFFFF  }
0xad: {  	[dreg:$0x0] =	wrdreg $0x60  }
0xae: {  	[dreg:$0x2] =	wrdreg s24  }
0xaf: {  	[dreg:$0x3] =	wrdreg s2  }
0xb0: {  	[dreg:$0x4] =	wrdreg $0x9  }
0xb1: {  	_ =	task.clear_ibuf [dreg:s7], $0x5FFFF;
	_ =	strace $0x90000046  }
0xb2: {  	s29 =	simm.s32 $0x9;
	_ =	strace $0x80000048  }
0xb3: {  	_ =	swait.ge [sflag:s29], $0x1  }
0xb4: {  	[sflag:s29] =	ssyncadd.s32 $0xFFFFFFFF  }
0xb5: {  	_ =	strace $0x90000048  }
0xb6: {  	_ =	sfence  }
0xb7: {  	s30 =	sld [smem:$0x0];
	_ =	sdelay $0x2  }
0xb8: {  	s31 =	sshll.u32 s1, $0xD;
	s1 =	sshrl.u32 s1, $0x2  }
0xb9: {  	s3 =	sand.u32 $0x4000, s31;
	s1 =	sadd.s32 s1, s30  }
0xba: {  	s0 =	sor.u32 s3, s0;
	s1 =	sshll.u32 s1, $0x11  }
0xbb: {  	s0 =	sor.u32 s1, s0  }
0xbc: {  	s0 =	sadd.s32 $0x8F2B, s0  }
0xbd: {  	[sflag:s0] =	ssyncadd.remote.s32 $0x1  }
0xbe: {  	_ =	sfence.sel $0xFFFF  }
0xbf: {  	[dreg:$0x0] =	wrdreg $0xFFFFFFFF;
	(pc) =	sbr.abs _section_cstart, $3  }
0xc0: {  	[dreg:$0x1] =	wrdreg $0xFFFFFFFF  }
0xc1: {  	_ =	task.clear_ibuf [dreg:s7], $0x2FFFF;
	_ =	strace $0x9FFFFFFF  }
0xc2: {  	(tm) =	ssettm $0x7FFFFFFF  }
0xc3: {  	_ =	shalt  }
tec
execute0_lowered:
.L_overlay_start_1:
0x0: {  	(tag) =	ssettag $0x1  }
0x1: {  	s3 =	rddreg [dreg:$0x0]  }
0x2: {  	s5 =	rddreg [dreg:$0x1];
	s2 =	simm.s32 $0x0  }
0x3: {  	s12 =	simm.s32 $0x11000;
	[smem:$0x7FF] =	sst s2  }
0x4: {  	s13 =	simm.s32 $0x11800;
	_ =	strace $0x80000047;
	[dreg:$0x9] =	wrdreg s12  }
0x5: {  	s14 =	simm.s32 $0x12000;
	[dreg:$0xa] =	wrdreg s13  }
0x6: {  	s15 =	simm.s32 $0x12800;
	[dreg:$0xb] =	wrdreg s14  }
0x7: {  	s16 =	simm.s32 $0x13000;
	[dreg:$0xc] =	wrdreg s15  }
0x8: {  	s17 =	simm.s32 $0x13800;
	[dreg:$0xd] =	wrdreg s16  }
0x9: {  	s0 =	srdreg.scid;
	s18 =	simm.s32 $0x14000;
	[dreg:$0xe] =	wrdreg s17  }
0xa: {  	s1 =	stileid.u32;
	s19 =	simm.s32 $0x14800;
	[dreg:$0xf] =	wrdreg s18  }
0xb: {  	s20 =	simm.s32 $0x15000;
	s21 =	simm.s32 $0x15800;
	[dreg:$0x10] =	wrdreg s19  }
0xc: {  	s22 =	simm.s32 $0x16000;
	s23 =	simm.s32 $0x16800;
	[dreg:$0x11] =	wrdreg s20  }
0xd: {  	s24 =	simm.s32 $0x17000;
	s25 =	simm.s32 $0x17800;
	[dreg:$0x12] =	wrdreg s21  }
0xe: {  	s26 =	simm.s32 $0x18000;
	s28 =	simm.s32 $0x2800;
	[dreg:$0x13] =	wrdreg s22  }
0xf: {  	s29 =	simm.s32 $0x3000;
	s30 =	simm.s32 $0x3800;
	[dreg:$0x14] =	wrdreg s23  }
0x10: {  	s0 =	sand.u32 $0x1, s0;
	s1 =	sshll.u32 s1, $0x1;
	[dreg:$0x15] =	wrdreg s24  }
0x11: {  	s31 =	simm.s32 $0x4000;
	s1 =	sor.u32 s0, s1;
	[dreg:$0x16] =	wrdreg s25  }
0x12: {  	s0 =	ssub.s32 $0x2, s0;
	[dreg:$0x17] =	wrdreg s26;
	s15 =	simm.s32 $0x1  }
0x13: {  	s16 =	simm.s32 $0x4;
	s17 =	simm.s32 $0x2;
	s18 =	simm.s32 $0x5  }
0x14: {  	s23 =	simm.s32 $0x800;
	s24 =	simm.s32 $0x1000;
	s25 =	simm.s32 $0x1800  }
0x15: {  	s26 =	simm.s32 $0x2000;
	s12 =	simm.s32 $0x7800;
	s4 =	smul.u32 $0x5, s1  }
0x16: {  	s13 =	simm.s32 $0x8000;
	s14 =	simm.s32 $0x9000;
	s8 =	smul.u32 $0x28000, s1  }
0x17: {  	s19 =	simm.s32 $0xA000;
	s1 =	smul.u32 $0x5000, s1;
	s9 =	sshrl.u32 s0, $0x1  }
0x18: {  	s20 =	simm.s32 $0xA800;
	s0 =	ssub.s32 s0, s9;
	s6 =	sand.u32 $0xF8, s4  }
0x19: {  	s8 =	sshrl.u32 s8, $0x3;
	s1 =	sadd.s32 s5, s1;
	s6 =	smin.u32 s6, $0x90  }
0x1a: {  	s5 =	sadd.s32 s5, s8;
	[dreg:$0x4] =	wrdreg s1;
	s7 =	sshll.u32 s6, $0x4  }
0x1b: {  	s8 =	sadd.s32 $0x1000, s5;
	s4 =	ssub.s32 s4, s6;
	s9 =	sadd.s32 $0x2000, s5  }
0x1c: {  	s10 =	sadd.s32 $0x3000, s5;
	s11 =	sadd.s32 $0x4000, s5;
	[dreg:$0x5] =	wrdreg s8  }
0x1d: {  	s5 =	smax.u32 s0, $0x1;
	s6 =	simm.s32 $0x5000;
	[dreg:$0x6] =	wrdreg s9  }
0x1e: {  	s7 =	sadd.s32 s7, s3;
	s3 =	sadd.s32 $0x1000, s3;
	[dreg:$0x7] =	wrdreg s10  }
0x1f: {  	v2 =	vlaneseq.u32;
	s4 =	sshll.u32 s4, $0x9;
	[dreg:$0x8] =	wrdreg s11;
	s8 =	simm.s32 $0x5800  }
0x20: {  	vm0 =	vmmov $0xffff;
	v1 =	vshrl.u32 v2, $0x3;
	s9 =	simm.s32 $0x6000;
	s10 =	simm.s32 $0x6800;
	s7 =	sadd.s32 $0x600, s7  }
0x21: {  	v0 =	vand.u32 $0x7, v2;
	v2 =	vor.u32 $0x8, v2;
	v1 =	vmul.u32 $0x8, v1;
	s11 =	simm.s32 $0x7000;
	s4 =	sshra.s32 s4, $0x2;
	[dreg:$0x3] =	wrdreg s7  }
.LBB2_1:
0x22: {  	s21 =	rddreg [dreg:$0x3];
	s0 =	simm.s32 $0x7  }
0x23: {  	[tilespmem:s2], [sflag:$0x7] =	stream.linear.gather [hbm4b:s21+s2], $0x800, $0x38;
	[tilespmem:$0x18800] =	vst v63  }
0x24: {  	_ =	swait.ge [sflag:s0], $0x800  }
0x25: {  	[sflag:s0] =	ssyncset.done $0x0  }
0x26: {  	[sflag:s0] =	ssyncadd.s32 $0xFFFFF800  }
0x27: {  	v3 =	vld [tilespmem:s4+$0x0];
	_ =	sdelay $0x4  }
0x28: {  	v4 =	vshll.u32 v3, $0x1  }
0x29: {  	v3 =	vand.u32 $0x7, v3;
	v4 =	vand.u32 $0xFFFFFFF0, v4  }
0x2a: {  	v3 =	vor.u32 v3, v4  }
0x2b: {  	v4 =	vperm.xlane v3, v0;
	_ =	sdelay $0x1  }
0x2c: {  	v3 =	vperm.xlane v3, v2;
	v4 =	vadd.s32 v1, v4;
	_ =	sdelay $0x1  }
0x2d: {  	v3 =	vadd.s32 v1, v3;
	_ =	sdelay $0x2  }
0x2e: {  	[tilespmem:s23], [sflag:$0x1] =	stream.indirect_vreg.gather [hbm4b:s3+s2], $0x80, v4, vm0, $0xb8;
	[tilespmem:$0x18800] =	vst v63  }
0x2f: {  	_ = 	snop  }
0x30: {  	[tilespmem:s24], [sflag:$0x1] =	stream.indirect_vreg.gather [hbm4b:s3+s2], $0x80, v3, vm0, $0xb8;
	[tilespmem:$0x18800] =	vst v63  }
0x31: {  	v3 =	vld [tilespmem:s4+$0x10];
	_ =	sdelay $0x4  }
0x32: {  	v25 =	vshll.u32 v3, $0x1  }
0x33: {  	v3 =	vand.u32 $0x7, v3;
	v4 =	vand.u32 $0xFFFFFFF0, v25  }
0x34: {  	v3 =	vor.u32 v3, v4  }
0x35: {  	v4 =	vperm.xlane v3, v0;
	_ =	sdelay $0x1  }
0x36: {  	v3 =	vperm.xlane v3, v2;
	v4 =	vadd.s32 v1, v4;
	_ =	sdelay $0x1  }
0x37: {  	v3 =	vadd.s32 v1, v3;
	_ =	sdelay $0x2  }
0x38: {  	[tilespmem:s25], [sflag:$0x1] =	stream.indirect_vreg.gather [hbm4b:s3+s2], $0x80, v4, vm0, $0xb8;
	[tilespmem:$0x18800] =	vst v63  }
0x39: {  	_ = 	snop  }
0x3a: {  	[tilespmem:s26], [sflag:$0x1] =	stream.indirect_vreg.gather [hbm4b:s3+s2], $0x80, v3, vm0, $0xb8;
	[tilespmem:$0x18800] =	vst v63  }
0x3b: {  	v3 =	vld [tilespmem:s4+$0x20];
	_ =	sdelay $0x4  }
0x3c: {  	v26 =	vshll.u32 v3, $0x1  }
0x3d: {  	v3 =	vand.u32 $0x7, v3;
	v4 =	vand.u32 $0xFFFFFFF0, v26  }
0x3e: {  	v3 =	vor.u32 v3, v4  }
0x3f: {  	v4 =	vperm.xlane v3, v0;
	_ =	sdelay $0x1  }
0x40: {  	v3 =	vperm.xlane v3, v2;
	v4 =	vadd.s32 v1, v4;
	_ =	sdelay $0x1  }
0x41: {  	v3 =	vadd.s32 v1, v3;
	_ =	sdelay $0x2  }
0x42: {  	[tilespmem:s28], [sflag:$0x1] =	stream.indirect_vreg.gather [hbm4b:s3+s2], $0x80, v4, vm0, $0xb8;
	[tilespmem:$0x18800] =	vst v63  }
0x43: {  	_ = 	snop  }
0x44: {  	[tilespmem:s29], [sflag:$0x1] =	stream.indirect_vreg.gather [hbm4b:s3+s2], $0x80, v3, vm0, $0xb8;
	[tilespmem:$0x18800] =	vst v63  }
0x45: {  	v3 =	vld [tilespmem:s4+$0x30];
	_ =	sdelay $0x4  }
0x46: {  	v27 =	vshll.u32 v3, $0x1  }
0x47: {  	v3 =	vand.u32 $0x7, v3;
	v4 =	vand.u32 $0xFFFFFFF0, v27  }
0x48: {  	v3 =	vor.u32 v3, v4  }
0x49: {  	v4 =	vperm.xlane v3, v0;
	_ =	sdelay $0x1  }
0x4a: {  	v3 =	vperm.xlane v3, v2;
	v4 =	vadd.s32 v1, v4;
	_ =	sdelay $0x1  }
0x4b: {  	v3 =	vadd.s32 v1, v3;
	_ =	sdelay $0x2  }
0x4c: {  	[tilespmem:s30], [sflag:$0x1] =	stream.indirect_vreg.gather [hbm4b:s3+s2], $0x80, v4, vm0, $0xb8;
	[tilespmem:$0x18800] =	vst v63  }
0x4d: {  	_ = 	snop  }
0x4e: {  	[tilespmem:s31], [sflag:$0x1] =	stream.indirect_vreg.gather [hbm4b:s3+s2], $0x80, v3, vm0, $0xb8;
	[tilespmem:$0x18800] =	vst v63  }
0x4f: {  	v3 =	vld [tilespmem:s4+$0x40];
	_ =	sdelay $0x4  }
0x50: {  	v28 =	vshll.u32 v3, $0x1  }
0x51: {  	v3 =	vand.u32 $0x7, v3;
	v4 =	vand.u32 $0xFFFFFFF0, v28  }
0x52: {  	v3 =	vor.u32 v3, v4  }
0x53: {  	v4 =	vperm.xlane v3, v0;
	_ =	sdelay $0x1  }
0x54: {  	v3 =	vperm.xlane v3, v2;
	v4 =	vadd.s32 v1, v4;
	_ =	sdelay $0x1  }
0x55: {  	v3 =	vadd.s32 v1, v3;
	_ =	sdelay $0x1  }
0x56: {  	s1 =	simm.s32 $0x4800  }
0x57: {  	[tilespmem:s1], [sflag:$0x1] =	stream.indirect_vreg.gather [hbm4b:s3+s2], $0x80, v4, vm0, $0xb8;
	[tilespmem:$0x18800] =	vst v63  }
0x58: {  	_ = 	snop  }
0x59: {  	[tilespmem:s6], [sflag:$0x1] =	stream.indirect_vreg.gather [hbm4b:s3+s2], $0x80, v3, vm0, $0xb8;
	[tilespmem:$0x18800] =	vst v63  }
0x5a: {  	v3 =	vld [tilespmem:s4+$0x50];
	_ =	sdelay $0x4  }
0x5b: {  	v29 =	vshll.u32 v3, $0x1  }
0x5c: {  	v3 =	vand.u32 $0x7, v3;
	v4 =	vand.u32 $0xFFFFFFF0, v29  }
0x5d: {  	v3 =	vor.u32 v3, v4  }
0x5e: {  	v4 =	vperm.xlane v3, v0;
	_ =	sdelay $0x1  }
0x5f: {  	v3 =	vperm.xlane v3, v2;
	v4 =	vadd.s32 v1, v4;
	_ =	sdelay $0x1  }
0x60: {  	v3 =	vadd.s32 v1, v3;
	_ =	sdelay $0x2  }
0x61: {  	[tilespmem:s8], [sflag:$0x1] =	stream.indirect_vreg.gather [hbm4b:s3+s2], $0x80, v4, vm0, $0xb8;
	[tilespmem:$0x18800] =	vst v63  }
0x62: {  	_ = 	snop  }
0x63: {  	[tilespmem:s9], [sflag:$0x1] =	stream.indirect_vreg.gather [hbm4b:s3+s2], $0x80, v3, vm0, $0xb8;
	[tilespmem:$0x18800] =	vst v63  }
0x64: {  	v3 =	vld [tilespmem:s4+$0x60];
	_ =	sdelay $0x4  }
0x65: {  	v30 =	vshll.u32 v3, $0x1  }
0x66: {  	v3 =	vand.u32 $0x7, v3;
	v4 =	vand.u32 $0xFFFFFFF0, v30  }
0x67: {  	v3 =	vor.u32 v3, v4  }
0x68: {  	v4 =	vperm.xlane v3, v0;
	_ =	sdelay $0x1  }
0x69: {  	v3 =	vperm.xlane v3, v2;
	v4 =	vadd.s32 v1, v4;
	_ =	sdelay $0x1  }
0x6a: {  	v3 =	vadd.s32 v1, v3;
	_ =	sdelay $0x2  }
0x6b: {  	[tilespmem:s10], [sflag:$0x1] =	stream.indirect_vreg.gather [hbm4b:s3+s2], $0x80, v4, vm0, $0xb8;
	[tilespmem:$0x18800] =	vst v63  }
0x6c: {  	_ = 	snop  }
0x6d: {  	[tilespmem:s11], [sflag:$0x1] =	stream.indirect_vreg.gather [hbm4b:s3+s2], $0x80, v3, vm0, $0xb8;
	[tilespmem:$0x18800] =	vst v63  }
0x6e: {  	v3 =	vld [tilespmem:s4+$0x70];
	_ =	sdelay $0x4  }
0x6f: {  	v31 =	vshll.u32 v3, $0x1  }
0x70: {  	v3 =	vand.u32 $0x7, v3;
	v4 =	vand.u32 $0xFFFFFFF0, v31  }
0x71: {  	v3 =	vor.u32 v3, v4  }
0x72: {  	v4 =	vperm.xlane v3, v0;
	_ =	sdelay $0x1  }
0x73: {  	v3 =	vperm.xlane v3, v2;
	v4 =	vadd.s32 v1, v4;
	_ =	sdelay $0x1  }
0x74: {  	v3 =	vadd.s32 v1, v3;
	_ =	sdelay $0x2  }
0x75: {  	[tilespmem:s12], [sflag:$0x1] =	stream.indirect_vreg.gather [hbm4b:s3+s2], $0x80, v4, vm0, $0xb8;
	[tilespmem:$0x18800] =	vst v63  }
0x76: {  	_ = 	snop  }
0x77: {  	[tilespmem:s13], [sflag:$0x1] =	stream.indirect_vreg.gather [hbm4b:s3+s2], $0x80, v3, vm0, $0xb8;
	[tilespmem:$0x18800] =	vst v63  }
0x78: {  	v3 =	vld [tilespmem:s4+$0x80];
	_ =	sdelay $0x4  }
0x79: {  	v32 =	vshll.u32 v3, $0x1  }
0x7a: {  	v3 =	vand.u32 $0x7, v3;
	v4 =	vand.u32 $0xFFFFFFF0, v32  }
0x7b: {  	v3 =	vor.u32 v3, v4  }
0x7c: {  	v4 =	vperm.xlane v3, v0;
	_ =	sdelay $0x1  }
0x7d: {  	v3 =	vperm.xlane v3, v2;
	v4 =	vadd.s32 v1, v4;
	_ =	sdelay $0x1  }
0x7e: {  	v3 =	vadd.s32 v1, v3;
	_ =	sdelay $0x1  }
0x7f: {  	s0 =	simm.s32 $0x8800  }
0x80: {  	[tilespmem:s0], [sflag:$0x2] =	stream.indirect_vreg.gather [hbm4b:s3+s2], $0x80, v4, vm0, $0xb8;
	[tilespmem:$0x18800] =	vst v63  }
0x81: {  	_ = 	snop  }
0x82: {  	[tilespmem:s14], [sflag:$0x2] =	stream.indirect_vreg.gather [hbm4b:s3+s2], $0x80, v3, vm0, $0xb8;
	[tilespmem:$0x18800] =	vst v63  }
0x83: {  	v3 =	vld [tilespmem:s4+$0x90];
	_ =	sdelay $0x4  }
0x84: {  	v33 =	vshll.u32 v3, $0x1  }
0x85: {  	v3 =	vand.u32 $0x7, v3;
	v4 =	vand.u32 $0xFFFFFFF0, v33  }
0x86: {  	v3 =	vor.u32 v3, v4  }
0x87: {  	v4 =	vperm.xlane v3, v0;
	_ =	sdelay $0x1  }
0x88: {  	v3 =	vperm.xlane v3, v2;
	v4 =	vadd.s32 v1, v4;
	_ =	sdelay $0x1  }
0x89: {  	v3 =	vadd.s32 v1, v3;
	_ =	sdelay $0x1  }
0x8a: {  	s7 =	simm.s32 $0x9800  }
0x8b: {  	[tilespmem:s7], [sflag:$0x2] =	stream.indirect_vreg.gather [hbm4b:s3+s2], $0x80, v4, vm0, $0xb8;
	[tilespmem:$0x18800] =	vst v63  }
0x8c: {  	_ = 	snop  }
0x8d: {  	[tilespmem:s19], [sflag:$0x2] =	stream.indirect_vreg.gather [hbm4b:s3+s2], $0x80, v3, vm0, $0xb8;
	[tilespmem:$0x18800] =	vst v63  }
0x8e: {  	v3 =	vld [tilespmem:s4+$0xA0];
	_ =	sdelay $0x4  }
0x8f: {  	v34 =	vshll.u32 v3, $0x1  }
0x90: {  	v3 =	vand.u32 $0x7, v3;
	v4 =	vand.u32 $0xFFFFFFF0, v34  }
0x91: {  	v3 =	vor.u32 v3, v4  }
0x92: {  	v4 =	vperm.xlane v3, v0;
	_ =	sdelay $0x1  }
0x93: {  	v3 =	vperm.xlane v3, v2;
	v4 =	vadd.s32 v1, v4;
	_ =	sdelay $0x1  }
0x94: {  	v3 =	vadd.s32 v1, v3;
	_ =	sdelay $0x2  }
0x95: {  	[tilespmem:s20], [sflag:$0x2] =	stream.indirect_vreg.gather [hbm4b:s3+s2], $0x80, v4, vm0, $0xb8;
	[tilespmem:$0x18800] =	vst v63  }
0x96: {  	s21 =	simm.s32 $0xB000  }
0x97: {  	[tilespmem:s21], [sflag:$0x2] =	stream.indirect_vreg.gather [hbm4b:s3+s2], $0x80, v3, vm0, $0xb8;
	[tilespmem:$0x18800] =	vst v63  }
0x98: {  	v3 =	vld [tilespmem:s4+$0xB0];
	_ =	sdelay $0x4  }
0x99: {  	v35 =	vshll.u32 v3, $0x1  }
0x9a: {  	v3 =	vand.u32 $0x7, v3;
	v4 =	vand.u32 $0xFFFFFFF0, v35  }
0x9b: {  	v3 =	vor.u32 v3, v4  }
0x9c: {  	v4 =	vperm.xlane v3, v0;
	_ =	sdelay $0x1  }
0x9d: {  	v3 =	vperm.xlane v3, v2;
	v4 =	vadd.s32 v1, v4;
	_ =	sdelay $0x1  }
0x9e: {  	v3 =	vadd.s32 v1, v3;
	_ =	sdelay $0x1  }
0x9f: {  	s22 =	simm.s32 $0xB800  }
0xa0: {  	[tilespmem:s22], [sflag:$0x2] =	stream.indirect_vreg.gather [hbm4b:s3+s2], $0x80, v4, vm0, $0xb8;
	[tilespmem:$0x18800] =	vst v63  }
0xa1: {  	s21 =	simm.s32 $0xC000  }
0xa2: {  	[tilespmem:s21], [sflag:$0x2] =	stream.indirect_vreg.gather [hbm4b:s3+s2], $0x80, v3, vm0, $0xb8;
	[tilespmem:$0x18800] =	vst v63  }
0xa3: {  	v3 =	vld [tilespmem:s4+$0xC0];
	_ =	sdelay $0x4  }
0xa4: {  	v36 =	vshll.u32 v3, $0x1  }
0xa5: {  	v3 =	vand.u32 $0x7, v3;
	v4 =	vand.u32 $0xFFFFFFF0, v36  }
0xa6: {  	v3 =	vor.u32 v3, v4  }
0xa7: {  	v4 =	vperm.xlane v3, v0;
	_ =	sdelay $0x1  }
0xa8: {  	v3 =	vperm.xlane v3, v2;
	v4 =	vadd.s32 v1, v4;
	_ =	sdelay $0x1  }
0xa9: {  	v3 =	vadd.s32 v1, v3;
	_ =	sdelay $0x1  }
0xaa: {  	s22 =	simm.s32 $0xC800  }
0xab: {  	[tilespmem:s22], [sflag:$0x2] =	stream.indirect_vreg.gather [hbm4b:s3+s2], $0x80, v4, vm0, $0xb8;
	[tilespmem:$0x18800] =	vst v63  }
0xac: {  	s21 =	simm.s32 $0xD000  }
0xad: {  	[tilespmem:s21], [sflag:$0x2] =	stream.indirect_vreg.gather [hbm4b:s3+s2], $0x80, v3, vm0, $0xb8;
	[tilespmem:$0x18800] =	vst v63  }
0xae: {  	v3 =	vld [tilespmem:s4+$0xD0];
	_ =	sdelay $0x4  }
0xaf: {  	v37 =	vshll.u32 v3, $0x1  }
0xb0: {  	v3 =	vand.u32 $0x7, v3;
	v4 =	vand.u32 $0xFFFFFFF0, v37  }
0xb1: {  	v3 =	vor.u32 v3, v4  }
0xb2: {  	v4 =	vperm.xlane v3, v0;
	_ =	sdelay $0x1  }
0xb3: {  	v3 =	vperm.xlane v3, v2;
	v4 =	vadd.s32 v1, v4;
	_ =	sdelay $0x1  }
0xb4: {  	v3 =	vadd.s32 v1, v3;
	_ =	sdelay $0x1  }
0xb5: {  	s22 =	simm.s32 $0xD800  }
0xb6: {  	[tilespmem:s22], [sflag:$0x2] =	stream.indirect_vreg.gather [hbm4b:s3+s2], $0x80, v4, vm0, $0xb8;
	[tilespmem:$0x18800] =	vst v63  }
0xb7: {  	s21 =	simm.s32 $0xE000  }
0xb8: {  	[tilespmem:s21], [sflag:$0x2] =	stream.indirect_vreg.gather [hbm4b:s3+s2], $0x80, v3, vm0, $0xb8;
	[tilespmem:$0x18800] =	vst v63  }
0xb9: {  	v3 =	vld [tilespmem:s4+$0xE0];
	_ =	sdelay $0x4  }
0xba: {  	v38 =	vshll.u32 v3, $0x1  }
0xbb: {  	v3 =	vand.u32 $0x7, v3;
	v4 =	vand.u32 $0xFFFFFFF0, v38  }
0xbc: {  	v3 =	vor.u32 v3, v4  }
0xbd: {  	v4 =	vperm.xlane v3, v0;
	_ =	sdelay $0x1  }
0xbe: {  	v3 =	vperm.xlane v3, v2;
	v4 =	vadd.s32 v1, v4;
	_ =	sdelay $0x1  }
0xbf: {  	v3 =	vadd.s32 v1, v3;
	_ =	sdelay $0x1  }
0xc0: {  	s22 =	simm.s32 $0xE800  }
0xc1: {  	[tilespmem:s22], [sflag:$0x2] =	stream.indirect_vreg.gather [hbm4b:s3+s2], $0x80, v4, vm0, $0xb8;
	[tilespmem:$0x18800] =	vst v63  }
0xc2: {  	s21 =	simm.s32 $0xF000  }
0xc3: {  	[tilespmem:s21], [sflag:$0x2] =	stream.indirect_vreg.gather [hbm4b:s3+s2], $0x80, v3, vm0, $0xb8;
	[tilespmem:$0x18800] =	vst v63  }
0xc4: {  	v3 =	vld [tilespmem:s4+$0xF0];
	_ =	sdelay $0x4  }
0xc5: {  	v39 =	vshll.u32 v3, $0x1  }
0xc6: {  	v3 =	vand.u32 $0x7, v3;
	v4 =	vand.u32 $0xFFFFFFF0, v39  }
0xc7: {  	v3 =	vor.u32 v3, v4  }
0xc8: {  	v4 =	vperm.xlane v3, v0;
	_ =	sdelay $0x1  }
0xc9: {  	v3 =	vperm.xlane v3, v2;
	v4 =	vadd.s32 v1, v4;
	_ =	sdelay $0x1  }
0xca: {  	v3 =	vadd.s32 v1, v3;
	_ =	sdelay $0x1  }
0xcb: {  	s22 =	simm.s32 $0xF800  }
0xcc: {  	[tilespmem:s22], [sflag:$0x2] =	stream.indirect_vreg.gather [hbm4b:s3+s2], $0x80, v4, vm0, $0xb8;
	[tilespmem:$0x18800] =	vst v63  }
0xcd: {  	s21 =	simm.s32 $0x10000  }
0xce: {  	[tilespmem:s21], [sflag:$0x2] =	stream.indirect_vreg.gather [hbm4b:s3+s2], $0x80, v3, vm0, $0xb8;
	[tilespmem:$0x18800] =	vst v63  }
0xcf: {  	v3 =	vld [tilespmem:s4+$0x100];
	_ =	sdelay $0x4  }
0xd0: {  	v40 =	vshll.u32 v3, $0x1  }
0xd1: {  	v3 =	vand.u32 $0x7, v3;
	v4 =	vand.u32 $0xFFFFFFF0, v40  }
0xd2: {  	v3 =	vor.u32 v3, v4  }
0xd3: {  	v4 =	vperm.xlane v3, v0;
	_ =	sdelay $0x1  }
0xd4: {  	v3 =	vperm.xlane v3, v2;
	v4 =	vadd.s32 v1, v4;
	_ =	sdelay $0x1  }
0xd5: {  	v3 =	vadd.s32 v1, v3;
	_ =	sdelay $0x1  }
0xd6: {  	s7 =	simm.s32 $0x10800  }
0xd7: {  	[tilespmem:s7], [sflag:$0x3] =	stream.indirect_vreg.gather [hbm4b:s3+s2], $0x80, v4, vm0, $0xb8;
	[tilespmem:$0x18800] =	vst v63  }
0xd8: {  	s22 =	rddreg [dreg:$0x9]  }
0xd9: {  	[tilespmem:s22], [sflag:$0x3] =	stream.indirect_vreg.gather [hbm4b:s3+s2], $0x80, v3, vm0, $0xb8;
	[tilespmem:$0x18800] =	vst v63  }
0xda: {  	v3 =	vld [tilespmem:s4+$0x110];
	_ =	sdelay $0x4  }
0xdb: {  	v41 =	vshll.u32 v3, $0x1  }
0xdc: {  	v3 =	vand.u32 $0x7, v3;
	v4 =	vand.u32 $0xFFFFFFF0, v41  }
0xdd: {  	v3 =	vor.u32 v3, v4  }
0xde: {  	v4 =	vperm.xlane v3, v0;
	_ =	sdelay $0x1  }
0xdf: {  	v3 =	vperm.xlane v3, v2;
	v4 =	vadd.s32 v1, v4;
	_ =	sdelay $0x1  }
0xe0: {  	v3 =	vadd.s32 v1, v3;
	_ =	sdelay $0x1  }
0xe1: {  	s21 =	rddreg [dreg:$0xa]  }
0xe2: {  	[tilespmem:s21], [sflag:$0x3] =	stream.indirect_vreg.gather [hbm4b:s3+s2], $0x80, v4, vm0, $0xb8;
	[tilespmem:$0x18800] =	vst v63  }
0xe3: {  	s22 =	rddreg [dreg:$0xb]  }
0xe4: {  	[tilespmem:s22], [sflag:$0x3] =	stream.indirect_vreg.gather [hbm4b:s3+s2], $0x80, v3, vm0, $0xb8;
	[tilespmem:$0x18800] =	vst v63  }
0xe5: {  	v3 =	vld [tilespmem:s4+$0x120];
	_ =	sdelay $0x4  }
0xe6: {  	v42 =	vshll.u32 v3, $0x1  }
0xe7: {  	v3 =	vand.u32 $0x7, v3;
	v4 =	vand.u32 $0xFFFFFFF0, v42  }
0xe8: {  	v3 =	vor.u32 v3, v4  }
0xe9: {  	v4 =	vperm.xlane v3, v0;
	_ =	sdelay $0x1  }
0xea: {  	v3 =	vperm.xlane v3, v2;
	v4 =	vadd.s32 v1, v4;
	_ =	sdelay $0x1  }
0xeb: {  	v3 =	vadd.s32 v1, v3;
	_ =	sdelay $0x1  }
0xec: {  	s21 =	rddreg [dreg:$0xc]  }
0xed: {  	[tilespmem:s21], [sflag:$0x3] =	stream.indirect_vreg.gather [hbm4b:s3+s2], $0x80, v4, vm0, $0xb8;
	[tilespmem:$0x18800] =	vst v63  }
0xee: {  	s22 =	rddreg [dreg:$0xd]  }
0xef: {  	[tilespmem:s22], [sflag:$0x3] =	stream.indirect_vreg.gather [hbm4b:s3+s2], $0x80, v3, vm0, $0xb8;
	[tilespmem:$0x18800] =	vst v63  }
0xf0: {  	v3 =	vld [tilespmem:s4+$0x130];
	_ =	sdelay $0x4  }
0xf1: {  	v43 =	vshll.u32 v3, $0x1  }
0xf2: {  	v3 =	vand.u32 $0x7, v3;
	v4 =	vand.u32 $0xFFFFFFF0, v43  }
0xf3: {  	v3 =	vor.u32 v3, v4  }
0xf4: {  	v4 =	vperm.xlane v3, v0;
	_ =	sdelay $0x1  }
0xf5: {  	v3 =	vperm.xlane v3, v2;
	v4 =	vadd.s32 v1, v4;
	_ =	sdelay $0x1  }
0xf6: {  	v3 =	vadd.s32 v1, v3;
	_ =	sdelay $0x1  }
0xf7: {  	s21 =	rddreg [dreg:$0xe]  }
0xf8: {  	[tilespmem:s21], [sflag:$0x3] =	stream.indirect_vreg.gather [hbm4b:s3+s2], $0x80, v4, vm0, $0xb8;
	[tilespmem:$0x18800] =	vst v63  }
0xf9: {  	s22 =	rddreg [dreg:$0xf]  }
0xfa: {  	[tilespmem:s22], [sflag:$0x3] =	stream.indirect_vreg.gather [hbm4b:s3+s2], $0x80, v3, vm0, $0xb8;
	[tilespmem:$0x18800] =	vst v63  }
0xfb: {  	v3 =	vld [tilespmem:s4+$0x140];
	_ =	sdelay $0x4  }
0xfc: {  	v44 =	vshll.u32 v3, $0x1  }
0xfd: {  	v3 =	vand.u32 $0x7, v3;
	v4 =	vand.u32 $0xFFFFFFF0, v44  }
0xfe: {  	v3 =	vor.u32 v3, v4  }
0xff: {  	v4 =	vperm.xlane v3, v0;
	_ =	sdelay $0x1  }
0x100: {  	v3 =	vperm.xlane v3, v2;
	v4 =	vadd.s32 v1, v4;
	_ =	sdelay $0x1  }
0x101: {  	v3 =	vadd.s32 v1, v3;
	_ =	sdelay $0x1  }
0x102: {  	s21 =	rddreg [dreg:$0x10]  }
0x103: {  	[tilespmem:s21], [sflag:$0x3] =	stream.indirect_vreg.gather [hbm4b:s3+s2], $0x80, v4, vm0, $0xb8;
	[tilespmem:$0x18800] =	vst v63  }
0x104: {  	s22 =	rddreg [dreg:$0x11]  }
0x105: {  	[tilespmem:s22], [sflag:$0x3] =	stream.indirect_vreg.gather [hbm4b:s3+s2], $0x80, v3, vm0, $0xb8;
	[tilespmem:$0x18800] =	vst v63  }
0x106: {  	v3 =	vld [tilespmem:s4+$0x150];
	_ =	sdelay $0x4  }
0x107: {  	v45 =	vshll.u32 v3, $0x1  }
0x108: {  	v3 =	vand.u32 $0x7, v3;
	v4 =	vand.u32 $0xFFFFFFF0, v45  }
0x109: {  	v3 =	vor.u32 v3, v4  }
0x10a: {  	v4 =	vperm.xlane v3, v0;
	_ =	sdelay $0x1  }
0x10b: {  	v3 =	vperm.xlane v3, v2;
	v4 =	vadd.s32 v1, v4;
	_ =	sdelay $0x1  }
0x10c: {  	v3 =	vadd.s32 v1, v3;
	_ =	sdelay $0x1  }
0x10d: {  	s21 =	rddreg [dreg:$0x12]  }
0x10e: {  	[tilespmem:s21], [sflag:$0x3] =	stream.indirect_vreg.gather [hbm4b:s3+s2], $0x80, v4, vm0, $0xb8;
	[tilespmem:$0x18800] =	vst v63  }
0x10f: {  	s22 =	rddreg [dreg:$0x13]  }
0x110: {  	[tilespmem:s22], [sflag:$0x3] =	stream.indirect_vreg.gather [hbm4b:s3+s2], $0x80, v3, vm0, $0xb8;
	[tilespmem:$0x18800] =	vst v63  }
0x111: {  	v3 =	vld [tilespmem:s4+$0x160];
	_ =	sdelay $0x4  }
0x112: {  	v46 =	vshll.u32 v3, $0x1  }
0x113: {  	v3 =	vand.u32 $0x7, v3;
	v4 =	vand.u32 $0xFFFFFFF0, v46  }
0x114: {  	v3 =	vor.u32 v3, v4  }
0x115: {  	v4 =	vperm.xlane v3, v0;
	_ =	sdelay $0x1  }
0x116: {  	v3 =	vperm.xlane v3, v2;
	v4 =	vadd.s32 v1, v4;
	_ =	sdelay $0x1  }
0x117: {  	v3 =	vadd.s32 v1, v3;
	_ =	sdelay $0x1  }
0x118: {  	s21 =	rddreg [dreg:$0x14]  }
0x119: {  	[tilespmem:s21], [sflag:$0x3] =	stream.indirect_vreg.gather [hbm4b:s3+s2], $0x80, v4, vm0, $0xb8;
	[tilespmem:$0x18800] =	vst v63  }
0x11a: {  	s22 =	rddreg [dreg:$0x15]  }
0x11b: {  	[tilespmem:s22], [sflag:$0x3] =	stream.indirect_vreg.gather [hbm4b:s3+s2], $0x80, v3, vm0, $0xb8;
	[tilespmem:$0x18800] =	vst v63  }
0x11c: {  	v3 =	vld [tilespmem:s4+$0x170];
	_ =	sdelay $0x4  }
0x11d: {  	v47 =	vshll.u32 v3, $0x1  }
0x11e: {  	v3 =	vand.u32 $0x7, v3;
	v4 =	vand.u32 $0xFFFFFFF0, v47  }
0x11f: {  	v3 =	vor.u32 v3, v4  }
0x120: {  	v4 =	vperm.xlane v3, v0;
	_ =	sdelay $0x1  }
0x121: {  	v3 =	vperm.xlane v3, v2;
	v4 =	vadd.s32 v1, v4;
	_ =	sdelay $0x1  }
0x122: {  	v3 =	vadd.s32 v1, v3;
	_ =	sdelay $0x1  }
0x123: {  	s21 =	rddreg [dreg:$0x16]  }
0x124: {  	[tilespmem:s21], [sflag:$0x3] =	stream.indirect_vreg.gather [hbm4b:s3+s2], $0x80, v4, vm0, $0xb8;
	[tilespmem:$0x18800] =	vst v63  }
0x125: {  	s22 =	rddreg [dreg:$0x17]  }
0x126: {  	[tilespmem:s22], [sflag:$0x3] =	stream.indirect_vreg.gather [hbm4b:s3+s2], $0x80, v3, vm0, $0xb8;
	[tilespmem:$0x18800] =	vst v63  }
0x127: {  	_ =	swait.ge [sflag:s15], $0x8000  }
0x128: {  	[sflag:s15] =	ssyncset.done $0x0  }
0x129: {  	s22 =	rddreg [dreg:$0x4];
	[sflag:s15] =	ssyncadd.s32 $0xFFFF8000  }
0x12a: {  	[hbm4b:s22+s2] =	stream.linear.scatter [tilespmem:s23], [sflag:$0x4], $0x8000, $0x38;
	[tilespmem:$0x18800] =	vst v63  }
0x12b: {  	_ =	swait.ge [sflag:s16], $0x8000  }
0x12c: {  	[sflag:s16] =	ssyncset.done $0x0  }
0x12d: {  	[sflag:s16] =	ssyncadd.s32 $0xFFFF8000  }
0x12e: {  	v3 =	vld [tilespmem:s4+$0x180];
	_ =	sdelay $0x4  }
0x12f: {  	v48 =	vshll.u32 v3, $0x1  }
0x130: {  	v3 =	vand.u32 $0x7, v3;
	v4 =	vand.u32 $0xFFFFFFF0, v48  }
0x131: {  	v3 =	vor.u32 v3, v4  }
0x132: {  	v4 =	vperm.xlane v3, v0;
	_ =	sdelay $0x1  }
0x133: {  	v3 =	vperm.xlane v3, v2;
	v4 =	vadd.s32 v1, v4;
	_ =	sdelay $0x1  }
0x134: {  	v3 =	vadd.s32 v1, v3;
	_ =	sdelay $0x2  }
0x135: {  	[tilespmem:s23], [sflag:$0x1] =	stream.indirect_vreg.gather [hbm4b:s3+s2], $0x80, v4, vm0, $0xb8;
	[tilespmem:$0x18800] =	vst v63  }
0x136: {  	_ = 	snop  }
0x137: {  	[tilespmem:s24], [sflag:$0x1] =	stream.indirect_vreg.gather [hbm4b:s3+s2], $0x80, v3, vm0, $0xb8;
	[tilespmem:$0x18800] =	vst v63  }
0x138: {  	v3 =	vld [tilespmem:s4+$0x190];
	_ =	sdelay $0x4  }
0x139: {  	v49 =	vshll.u32 v3, $0x1  }
0x13a: {  	v3 =	vand.u32 $0x7, v3;
	v4 =	vand.u32 $0xFFFFFFF0, v49  }
0x13b: {  	v3 =	vor.u32 v3, v4  }
0x13c: {  	v4 =	vperm.xlane v3, v0;
	_ =	sdelay $0x1  }
0x13d: {  	v3 =	vperm.xlane v3, v2;
	v4 =	vadd.s32 v1, v4;
	_ =	sdelay $0x1  }
0x13e: {  	v3 =	vadd.s32 v1, v3;
	_ =	sdelay $0x2  }
0x13f: {  	[tilespmem:s25], [sflag:$0x1] =	stream.indirect_vreg.gather [hbm4b:s3+s2], $0x80, v4, vm0, $0xb8;
	[tilespmem:$0x18800] =	vst v63  }
0x140: {  	_ = 	snop  }
0x141: {  	[tilespmem:s26], [sflag:$0x1] =	stream.indirect_vreg.gather [hbm4b:s3+s2], $0x80, v3, vm0, $0xb8;
	[tilespmem:$0x18800] =	vst v63  }
0x142: {  	v3 =	vld [tilespmem:s4+$0x1A0];
	_ =	sdelay $0x4  }
0x143: {  	v50 =	vshll.u32 v3, $0x1  }
0x144: {  	v3 =	vand.u32 $0x7, v3;
	v4 =	vand.u32 $0xFFFFFFF0, v50  }
0x145: {  	v3 =	vor.u32 v3, v4  }
0x146: {  	v4 =	vperm.xlane v3, v0;
	_ =	sdelay $0x1  }
0x147: {  	v3 =	vperm.xlane v3, v2;
	v4 =	vadd.s32 v1, v4;
	_ =	sdelay $0x1  }
0x148: {  	v3 =	vadd.s32 v1, v3;
	_ =	sdelay $0x2  }
0x149: {  	[tilespmem:s28], [sflag:$0x1] =	stream.indirect_vreg.gather [hbm4b:s3+s2], $0x80, v4, vm0, $0xb8;
	[tilespmem:$0x18800] =	vst v63  }
0x14a: {  	_ = 	snop  }
0x14b: {  	[tilespmem:s29], [sflag:$0x1] =	stream.indirect_vreg.gather [hbm4b:s3+s2], $0x80, v3, vm0, $0xb8;
	[tilespmem:$0x18800] =	vst v63  }
0x14c: {  	v3 =	vld [tilespmem:s4+$0x1B0];
	_ =	sdelay $0x4  }
0x14d: {  	v51 =	vshll.u32 v3, $0x1  }
0x14e: {  	v3 =	vand.u32 $0x7, v3;
	v4 =	vand.u32 $0xFFFFFFF0, v51  }
0x14f: {  	v3 =	vor.u32 v3, v4  }
0x150: {  	v4 =	vperm.xlane v3, v0;
	_ =	sdelay $0x1  }
0x151: {  	v3 =	vperm.xlane v3, v2;
	v4 =	vadd.s32 v1, v4;
	_ =	sdelay $0x1  }
0x152: {  	v3 =	vadd.s32 v1, v3;
	_ =	sdelay $0x2  }
0x153: {  	[tilespmem:s30], [sflag:$0x1] =	stream.indirect_vreg.gather [hbm4b:s3+s2], $0x80, v4, vm0, $0xb8;
	[tilespmem:$0x18800] =	vst v63  }
0x154: {  	_ = 	snop  }
0x155: {  	[tilespmem:s31], [sflag:$0x1] =	stream.indirect_vreg.gather [hbm4b:s3+s2], $0x80, v3, vm0, $0xb8;
	[tilespmem:$0x18800] =	vst v63  }
0x156: {  	v3 =	vld [tilespmem:s4+$0x1C0];
	_ =	sdelay $0x4  }
0x157: {  	v52 =	vshll.u32 v3, $0x1  }
0x158: {  	v3 =	vand.u32 $0x7, v3;
	v4 =	vand.u32 $0xFFFFFFF0, v52  }
0x159: {  	v3 =	vor.u32 v3, v4  }
0x15a: {  	v4 =	vperm.xlane v3, v0;
	_ =	sdelay $0x1  }
0x15b: {  	v3 =	vperm.xlane v3, v2;
	v4 =	vadd.s32 v1, v4;
	_ =	sdelay $0x1  }
0x15c: {  	v3 =	vadd.s32 v1, v3;
	_ =	sdelay $0x2  }
0x15d: {  	[tilespmem:s1], [sflag:$0x1] =	stream.indirect_vreg.gather [hbm4b:s3+s2], $0x80, v4, vm0, $0xb8;
	[tilespmem:$0x18800] =	vst v63  }
0x15e: {  	_ = 	snop  }
0x15f: {  	[tilespmem:s6], [sflag:$0x1] =	stream.indirect_vreg.gather [hbm4b:s3+s2], $0x80, v3, vm0, $0xb8;
	[tilespmem:$0x18800] =	vst v63  }
0x160: {  	v3 =	vld [tilespmem:s4+$0x1D0];
	_ =	sdelay $0x4  }
0x161: {  	v53 =	vshll.u32 v3, $0x1  }
0x162: {  	v3 =	vand.u32 $0x7, v3;
	v4 =	vand.u32 $0xFFFFFFF0, v53  }
0x163: {  	v3 =	vor.u32 v3, v4  }
0x164: {  	v4 =	vperm.xlane v3, v0;
	_ =	sdelay $0x1  }
0x165: {  	v3 =	vperm.xlane v3, v2;
	v4 =	vadd.s32 v1, v4;
	_ =	sdelay $0x1  }
0x166: {  	v3 =	vadd.s32 v1, v3;
	_ =	sdelay $0x2  }
0x167: {  	[tilespmem:s8], [sflag:$0x1] =	stream.indirect_vreg.gather [hbm4b:s3+s2], $0x80, v4, vm0, $0xb8;
	[tilespmem:$0x18800] =	vst v63  }
0x168: {  	_ = 	snop  }
0x169: {  	[tilespmem:s9], [sflag:$0x1] =	stream.indirect_vreg.gather [hbm4b:s3+s2], $0x80, v3, vm0, $0xb8;
	[tilespmem:$0x18800] =	vst v63  }
0x16a: {  	v3 =	vld [tilespmem:s4+$0x1E0];
	_ =	sdelay $0x4  }
0x16b: {  	v54 =	vshll.u32 v3, $0x1  }
0x16c: {  	v3 =	vand.u32 $0x7, v3;
	v4 =	vand.u32 $0xFFFFFFF0, v54  }
0x16d: {  	v3 =	vor.u32 v3, v4  }
0x16e: {  	v4 =	vperm.xlane v3, v0;
	_ =	sdelay $0x1  }
0x16f: {  	v3 =	vperm.xlane v3, v2;
	v4 =	vadd.s32 v1, v4;
	_ =	sdelay $0x1  }
0x170: {  	v3 =	vadd.s32 v1, v3;
	_ =	sdelay $0x2  }
0x171: {  	[tilespmem:s10], [sflag:$0x1] =	stream.indirect_vreg.gather [hbm4b:s3+s2], $0x80, v4, vm0, $0xb8;
	[tilespmem:$0x18800] =	vst v63  }
0x172: {  	_ = 	snop  }
0x173: {  	[tilespmem:s11], [sflag:$0x1] =	stream.indirect_vreg.gather [hbm4b:s3+s2], $0x80, v3, vm0, $0xb8;
	[tilespmem:$0x18800] =	vst v63  }
0x174: {  	v3 =	vld [tilespmem:s4+$0x1F0];
	_ =	sdelay $0x4  }
0x175: {  	v55 =	vshll.u32 v3, $0x1  }
0x176: {  	v3 =	vand.u32 $0x7, v3;
	v4 =	vand.u32 $0xFFFFFFF0, v55  }
0x177: {  	v3 =	vor.u32 v3, v4  }
0x178: {  	v4 =	vperm.xlane v3, v0;
	_ =	sdelay $0x1  }
0x179: {  	v3 =	vperm.xlane v3, v2;
	v4 =	vadd.s32 v1, v4;
	_ =	sdelay $0x1  }
0x17a: {  	v3 =	vadd.s32 v1, v3;
	_ =	sdelay $0x2  }
0x17b: {  	[tilespmem:s12], [sflag:$0x1] =	stream.indirect_vreg.gather [hbm4b:s3+s2], $0x80, v4, vm0, $0xb8;
	[tilespmem:$0x18800] =	vst v63  }
0x17c: {  	_ = 	snop  }
0x17d: {  	[tilespmem:s13], [sflag:$0x1] =	stream.indirect_vreg.gather [hbm4b:s3+s2], $0x80, v3, vm0, $0xb8;
	[tilespmem:$0x18800] =	vst v63  }
0x17e: {  	_ =	swait.ge [sflag:s17], $0x8000  }
0x17f: {  	[sflag:s17] =	ssyncset.done $0x0  }
0x180: {  	s1 =	rddreg [dreg:$0x5];
	[sflag:s17] =	ssyncadd.s32 $0xFFFF8000  }
0x181: {  	[hbm4b:s1+s2] =	stream.linear.scatter [tilespmem:s0], [sflag:$0x5], $0x8000, $0x38;
	[tilespmem:$0x18800] =	vst v63  }
0x182: {  	_ =	swait.ge [sflag:s18], $0x8000  }
0x183: {  	[sflag:s18] =	ssyncset.done $0x0  }
0x184: {  	[sflag:s18] =	ssyncadd.s32 $0xFFFF8000  }
0x185: {  	v3 =	vld [tilespmem:s4+$0x200];
	_ =	sdelay $0x4  }
0x186: {  	v56 =	vshll.u32 v3, $0x1  }
0x187: {  	v3 =	vand.u32 $0x7, v3;
	v4 =	vand.u32 $0xFFFFFFF0, v56  }
0x188: {  	v3 =	vor.u32 v3, v4  }
0x189: {  	v4 =	vperm.xlane v3, v0;
	_ =	sdelay $0x1  }
0x18a: {  	v3 =	vperm.xlane v3, v2;
	v4 =	vadd.s32 v1, v4;
	_ =	sdelay $0x1  }
0x18b: {  	v3 =	vadd.s32 v1, v3;
	_ =	sdelay $0x2  }
0x18c: {  	[tilespmem:s0], [sflag:$0x2] =	stream.indirect_vreg.gather [hbm4b:s3+s2], $0x80, v4, vm0, $0xb8;
	[tilespmem:$0x18800] =	vst v63  }
0x18d: {  	_ = 	snop  }
0x18e: {  	[tilespmem:s14], [sflag:$0x2] =	stream.indirect_vreg.gather [hbm4b:s3+s2], $0x80, v3, vm0, $0xb8;
	[tilespmem:$0x18800] =	vst v63  }
0x18f: {  	v3 =	vld [tilespmem:s4+$0x210];
	_ =	sdelay $0x4  }
0x190: {  	v57 =	vshll.u32 v3, $0x1  }
0x191: {  	v3 =	vand.u32 $0x7, v3;
	v4 =	vand.u32 $0xFFFFFFF0, v57  }
0x192: {  	v3 =	vor.u32 v3, v4  }
0x193: {  	v4 =	vperm.xlane v3, v0;
	_ =	sdelay $0x1  }
0x194: {  	v3 =	vperm.xlane v3, v2;
	v4 =	vadd.s32 v1, v4;
	_ =	sdelay $0x1  }
0x195: {  	v3 =	vadd.s32 v1, v3;
	_ =	sdelay $0x1  }
0x196: {  	s21 =	simm.s32 $0x9800  }
0x197: {  	[tilespmem:s21], [sflag:$0x2] =	stream.indirect_vreg.gather [hbm4b:s3+s2], $0x80, v4, vm0, $0xb8;
	[tilespmem:$0x18800] =	vst v63  }
0x198: {  	_ = 	snop  }
0x199: {  	[tilespmem:s19], [sflag:$0x2] =	stream.indirect_vreg.gather [hbm4b:s3+s2], $0x80, v3, vm0, $0xb8;
	[tilespmem:$0x18800] =	vst v63  }
0x19a: {  	v3 =	vld [tilespmem:s4+$0x220];
	_ =	sdelay $0x4  }
0x19b: {  	v58 =	vshll.u32 v3, $0x1  }
0x19c: {  	v3 =	vand.u32 $0x7, v3;
	v4 =	vand.u32 $0xFFFFFFF0, v58  }
0x19d: {  	v3 =	vor.u32 v3, v4  }
0x19e: {  	v4 =	vperm.xlane v3, v0;
	_ =	sdelay $0x1  }
0x19f: {  	v3 =	vperm.xlane v3, v2;
	v4 =	vadd.s32 v1, v4;
	_ =	sdelay $0x1  }
0x1a0: {  	v3 =	vadd.s32 v1, v3;
	_ =	sdelay $0x2  }
0x1a1: {  	[tilespmem:s20], [sflag:$0x2] =	stream.indirect_vreg.gather [hbm4b:s3+s2], $0x80, v4, vm0, $0xb8;
	[tilespmem:$0x18800] =	vst v63  }
0x1a2: {  	s22 =	simm.s32 $0xB000  }
0x1a3: {  	[tilespmem:s22], [sflag:$0x2] =	stream.indirect_vreg.gather [hbm4b:s3+s2], $0x80, v3, vm0, $0xb8;
	[tilespmem:$0x18800] =	vst v63  }
0x1a4: {  	v3 =	vld [tilespmem:s4+$0x230];
	_ =	sdelay $0x4  }
0x1a5: {  	v59 =	vshll.u32 v3, $0x1  }
0x1a6: {  	v3 =	vand.u32 $0x7, v3;
	v4 =	vand.u32 $0xFFFFFFF0, v59  }
0x1a7: {  	v3 =	vor.u32 v3, v4  }
0x1a8: {  	v4 =	vperm.xlane v3, v0;
	_ =	sdelay $0x1  }
0x1a9: {  	v3 =	vperm.xlane v3, v2;
	v4 =	vadd.s32 v1, v4;
	_ =	sdelay $0x1  }
0x1aa: {  	v3 =	vadd.s32 v1, v3;
	_ =	sdelay $0x1  }
0x1ab: {  	s21 =	simm.s32 $0xB800  }
0x1ac: {  	[tilespmem:s21], [sflag:$0x2] =	stream.indirect_vreg.gather [hbm4b:s3+s2], $0x80, v4, vm0, $0xb8;
	[tilespmem:$0x18800] =	vst v63  }
0x1ad: {  	s22 =	simm.s32 $0xC000  }
0x1ae: {  	[tilespmem:s22], [sflag:$0x2] =	stream.indirect_vreg.gather [hbm4b:s3+s2], $0x80, v3, vm0, $0xb8;
	[tilespmem:$0x18800] =	vst v63  }
0x1af: {  	v3 =	vld [tilespmem:s4+$0x240];
	_ =	sdelay $0x4  }
0x1b0: {  	v60 =	vshll.u32 v3, $0x1  }
0x1b1: {  	v3 =	vand.u32 $0x7, v3;
	v4 =	vand.u32 $0xFFFFFFF0, v60  }
0x1b2: {  	v3 =	vor.u32 v3, v4  }
0x1b3: {  	v4 =	vperm.xlane v3, v0;
	_ =	sdelay $0x1  }
0x1b4: {  	v3 =	vperm.xlane v3, v2;
	v4 =	vadd.s32 v1, v4;
	_ =	sdelay $0x1  }
0x1b5: {  	v3 =	vadd.s32 v1, v3;
	_ =	sdelay $0x1  }
0x1b6: {  	s21 =	simm.s32 $0xC800  }
0x1b7: {  	[tilespmem:s21], [sflag:$0x2] =	stream.indirect_vreg.gather [hbm4b:s3+s2], $0x80, v4, vm0, $0xb8;
	[tilespmem:$0x18800] =	vst v63  }
0x1b8: {  	s22 =	simm.s32 $0xD000  }
0x1b9: {  	[tilespmem:s22], [sflag:$0x2] =	stream.indirect_vreg.gather [hbm4b:s3+s2], $0x80, v3, vm0, $0xb8;
	[tilespmem:$0x18800] =	vst v63  }
0x1ba: {  	v3 =	vld [tilespmem:s4+$0x250];
	_ =	sdelay $0x4  }
0x1bb: {  	v61 =	vshll.u32 v3, $0x1  }
0x1bc: {  	v3 =	vand.u32 $0x7, v3;
	v4 =	vand.u32 $0xFFFFFFF0, v61  }
0x1bd: {  	v3 =	vor.u32 v3, v4  }
0x1be: {  	v4 =	vperm.xlane v3, v0;
	_ =	sdelay $0x1  }
0x1bf: {  	v3 =	vperm.xlane v3, v2;
	v4 =	vadd.s32 v1, v4;
	_ =	sdelay $0x1  }
0x1c0: {  	v3 =	vadd.s32 v1, v3;
	_ =	sdelay $0x1  }
0x1c1: {  	s21 =	simm.s32 $0xD800  }
0x1c2: {  	[tilespmem:s21], [sflag:$0x2] =	stream.indirect_vreg.gather [hbm4b:s3+s2], $0x80, v4, vm0, $0xb8;
	[tilespmem:$0x18800] =	vst v63  }
0x1c3: {  	s22 =	simm.s32 $0xE000  }
0x1c4: {  	[tilespmem:s22], [sflag:$0x2] =	stream.indirect_vreg.gather [hbm4b:s3+s2], $0x80, v3, vm0, $0xb8;
	[tilespmem:$0x18800] =	vst v63  }
0x1c5: {  	v3 =	vld [tilespmem:s4+$0x260];
	_ =	sdelay $0x4  }
0x1c6: {  	v62 =	vshll.u32 v3, $0x1  }
0x1c7: {  	v3 =	vand.u32 $0x7, v3;
	v4 =	vand.u32 $0xFFFFFFF0, v62  }
0x1c8: {  	v3 =	vor.u32 v3, v4  }
0x1c9: {  	v4 =	vperm.xlane v3, v0;
	_ =	sdelay $0x1  }
0x1ca: {  	v3 =	vperm.xlane v3, v2;
	v4 =	vadd.s32 v1, v4;
	_ =	sdelay $0x1  }
0x1cb: {  	v3 =	vadd.s32 v1, v3;
	_ =	sdelay $0x1  }
0x1cc: {  	s21 =	simm.s32 $0xE800  }
0x1cd: {  	[tilespmem:s21], [sflag:$0x2] =	stream.indirect_vreg.gather [hbm4b:s3+s2], $0x80, v4, vm0, $0xb8;
	[tilespmem:$0x18800] =	vst v63  }
0x1ce: {  	s22 =	simm.s32 $0xF000  }
0x1cf: {  	[tilespmem:s22], [sflag:$0x2] =	stream.indirect_vreg.gather [hbm4b:s3+s2], $0x80, v3, vm0, $0xb8;
	[tilespmem:$0x18800] =	vst v63  }
0x1d0: {  	v3 =	vld [tilespmem:s4+$0x270];
	_ =	sdelay $0x4  }
0x1d1: {  	v63 =	vshll.u32 v3, $0x1  }
0x1d2: {  	v3 =	vand.u32 $0x7, v3;
	v4 =	vand.u32 $0xFFFFFFF0, v63  }
0x1d3: {  	v3 =	vor.u32 v3, v4  }
0x1d4: {  	v4 =	vperm.xlane v3, v0;
	_ =	sdelay $0x1  }
0x1d5: {  	v3 =	vperm.xlane v3, v2;
	v4 =	vadd.s32 v1, v4;
	_ =	sdelay $0x1  }
0x1d6: {  	v3 =	vadd.s32 v1, v3;
	_ =	sdelay $0x1  }
0x1d7: {  	s21 =	simm.s32 $0xF800  }
0x1d8: {  	[tilespmem:s21], [sflag:$0x2] =	stream.indirect_vreg.gather [hbm4b:s3+s2], $0x80, v4, vm0, $0xb8;
	[tilespmem:$0x18800] =	vst v63  }
0x1d9: {  	s22 =	simm.s32 $0x10000;
	s21 =	simm.s32 $0x3  }
0x1da: {  	[tilespmem:s22], [sflag:$0x2] =	stream.indirect_vreg.gather [hbm4b:s3+s2], $0x80, v3, vm0, $0xb8;
	[tilespmem:$0x18800] =	vst v63  }
0x1db: {  	_ =	swait.ge [sflag:s21], $0x8000  }
0x1dc: {  	[sflag:s21] =	ssyncset.done $0x0  }
0x1dd: {  	s22 =	rddreg [dreg:$0x6];
	[sflag:s21] =	ssyncadd.s32 $0xFFFF8000  }
0x1de: {  	[hbm4b:s22+s2] =	stream.linear.scatter [tilespmem:s7], [sflag:$0x6], $0x8000, $0x38;
	[tilespmem:$0x18800] =	vst v63  }
0x1df: {  	_ =	swait.ge [sflag:s15], $0x8000  }
0x1e0: {  	[sflag:s15] =	ssyncset.done $0x0  }
0x1e1: {  	s1 =	rddreg [dreg:$0x7];
	[sflag:s15] =	ssyncadd.s32 $0xFFFF8000  }
0x1e2: {  	[hbm4b:s1+s2] =	stream.linear.scatter [tilespmem:s23], [sflag:$0x4], $0x8000, $0x38;
	[tilespmem:$0x18800] =	vst v63  }
0x1e3: {  	_ =	swait.ge [sflag:s17], $0x8000  }
0x1e4: {  	[sflag:s17] =	ssyncset.done $0x0  }
0x1e5: {  	s22 =	simm.s32 $0x6;
	s7 =	rddreg [dreg:$0x8];
	[sflag:s17] =	ssyncadd.s32 $0xFFFF8000  }
0x1e6: {  	[hbm4b:s7+s2] =	stream.linear.scatter [tilespmem:s0], [sflag:$0x5], $0x8000, $0x38;
	[tilespmem:$0x18800] =	vst v63  }
0x1e7: {  	_ =	swait.ge [sflag:s22], $0x8000  }
0x1e8: {  	[sflag:s22] =	ssyncset.done $0x0  }
0x1e9: {  	[sflag:s22] =	ssyncadd.s32 $0xFFFF8000  }
0x1ea: {  	p0 =	sne.s32 s5, $0x1;
	_ =	swait.ge [sflag:s16], $0x8000  }
.Ltmp0:
0x1eb: {  	[sflag:s16] =	ssyncset.done $0x0;
	(pc) =	sbr.rel @p0 .LBB2_1-.Ltmp0, $4  }
0x1ec: {  	[sflag:s16] =	ssyncadd.s32 $0xFFFF8000  }
0x1ed: {  	_ =	swait.ge [sflag:s18], $0x8000  }
0x1ee: {  	[sflag:s18] =	ssyncset.done $0x0  }
0x1ef: {  	s5 =	sadd.s32 $0xFFFFFFFF, s5;
	[sflag:s18] =	ssyncadd.s32 $0xFFFF8000  }
0x1f0: {  	_ =	sfence.sel $0x180000  }
0x1f1: {  	[bflag:$0x0] =	sbarrier.arrive $0xFFFF  }
0x1f2: {  	_ =	strace $0x90000047  }
0x1f3: {  	s0 =	stileid.u32;
	[bflag:$0x2] =	sbarrier.arrive $0xFFFF  }
0x1f4: {  	p0 =	sne.s32 s0, $0x0;
	s0 =	rddreg [dreg:$0x2]  }
0x1f5: {  	s0 =	sadd.s32 @!p0 $0x100000, s0  }
0x1f6: {  	[sflag:s0] =	ssyncadd.tile.s32 @!p0 $0x1;
	_ =	shalt  }
.Lfunc_end2:
_tile_overlayer_lowered:
.L_overlay_start_2:
0x1f7: {  	(tag) =	ssettag $0x2  }
0x1f8: {  	s0 =	rddreg [dreg:$0x0];
	s2 =	stileid.u32  }
0x1f9: {  	s1 =	rddreg [dreg:$0x1];
	p0 =	sne.s32 s2, $0x0  }
0x1fa: {  	s3 =	rddreg [dreg:$0x2];
	[bflag:$0x3] =	sbarrier.arrive $0xFFFF;
	s2 =	simm.s32 @!p0 $0x1C07  }
0x1fb: {  	[timem:s3], [sflag:s2] =	dma.local @!p0 [hbm:s0], s1  }
0x1fc: {  	s0 =	simm.s32 @!p0 $0x7  }
0x1fd: {  	_ =	swait.ge @!p0 [sflag:s0], s1  }
0x1fe: {  	s1 =	ssub.s32 @!p0 $0x0, s1;
	[sflag:s0] =	ssyncset.done @!p0 $0x0  }
0x1ff: {  	[sflag:s0] =	ssyncadd.s32 @!p0 s1  }
0x200: {  	[bflag:$0x3] =	sbarrier.arrive $0xFFFF  }
0x201: {  	_ =	shalt  }

</sc_bundles>
